<compile_context>
chip_gen: v7x
topology: tpu7x:2x2x1
jax: 0.10.2.dev20260603
libtpu: 0.0.44.dev20260713+nightly
codegen_flags: <defaults>
</compile_context>

<pallas_src>
import functools

import jax
import jax.numpy as jnp
import numpy as np
from jax import lax
from jax.experimental import pallas as pl
from jax.experimental.pallas import tpu as pltpu
from jax.experimental.pallas import tpu_sc as plsc

B = 16384
L = 200
D = 50
DP = 64
W = DP // 2
H = 100
O = 2

_info = plsc.get_sparse_core_info()
NC, NS = _info.num_cores, _info.num_subcores
NW = NC * NS
BPW = B // NW
CH = 8
CHL = CH * L
NCHUNK = BPW // CH

PERM = np.concatenate([
    np.arange(0, 32, 2), np.arange(1, 32, 2),
    np.arange(32, 64, 2), np.arange(33, 64, 2),
])


def _sc_pool(x, mask, tblw):
    mesh = plsc.VectorSubcoreMesh(core_axis_name="c", subcore_axis_name="s")

    @functools.partial(
        pl.kernel,
        mesh=mesh,
        compiler_params=pltpu.CompilerParams(use_tc_tiling_on_sc=False),
        out_type=jax.ShapeDtypeStruct((B * DP,), jnp.float32),
        scratch_types=[
            pltpu.VMEM((2, CHL), jnp.int32),
            pltpu.VMEM((2, CHL), jnp.float32),
            pltpu.VMEM((2, CHL, W), jnp.int32),
            pltpu.VMEM((2, 4 * CH * DP), jnp.float32),
            pltpu.SemaphoreType.DMA((2,)),
            pltpu.SemaphoreType.DMA((2,)),
            pltpu.SemaphoreType.DMA((2,)),
            pltpu.SemaphoreType.DMA((2,)),
        ],
    )
    def k(x_hbm, m_hbm, t_hbm, out_hbm, idxb, mskb, rowsb, ob, si, sm, sr, so):
        wid = lax.axis_index("s") * NC + lax.axis_index("c")
        base = wid * BPW
        himask = jnp.full((16,), -65536, dtype=jnp.int32)
        sh16 = jnp.full((16,), 16, dtype=jnp.int32)
        lanec = [jnp.full((16,), j, dtype=jnp.int32) for j in range(16)]

        def bcast(mv, j):
            return mv.at[lanec[j]].get(mode="promise_in_bounds")

        def cp_idx(c, s):
            off = (base + c * CH) * L
            pltpu.async_copy(x_hbm.at[pl.ds(off, CHL)], idxb.at[s], si.at[s])

        def cp_msk(c, s):
            off = (base + c * CH) * L
            pltpu.async_copy(m_hbm.at[pl.ds(off, CHL)], mskb.at[s], sm.at[s])

        def wait_idx(s):
            pltpu.make_async_copy(
                x_hbm.at[pl.ds(0, CHL)], idxb.at[s], si.at[s]).wait()

        def wait_msk(s):
            pltpu.make_async_copy(
                m_hbm.at[pl.ds(0, CHL)], mskb.at[s], sm.at[s]).wait()

        def gather(s):
            pltpu.async_copy(t_hbm.at[idxb.at[s]], rowsb.at[s], sr.at[s])

        def wait_gather(s):
            pltpu.make_async_copy(
                t_hbm.at[idxb.at[0]], rowsb.at[s], sr.at[s]).wait()

        def out_copy(c, sg):
            off = (base + (c - 3) * CH) * DP
            pltpu.async_copy(
                ob.at[sg], out_hbm.at[pl.ds(off, 4 * CH * DP)], so.at[sg])

        def wait_out(sg):
            pltpu.make_async_copy(
                ob.at[sg], out_hbm.at[pl.ds(0, 4 * CH * DP)], so.at[sg]).wait()

        def fma_one(s, lidx, bm, accs):
            new = []
            for w in range(2):
                rv = rowsb[s, lidx, pl.ds(w * 16, 16)]
                lo = lax.bitcast_convert_type(
                    lax.shift_left(rv, sh16), jnp.float32)
                hi = lax.bitcast_convert_type(rv, jnp.float32)
                new.append(accs[2 * w] + bm * lo)
                new.append(accs[2 * w + 1] + bm * hi)
            return tuple(new)

        def compute(s, sg, qoff):
            def rowbody(r, carry):
                rbase = r * L

                def gbody(g, accs):
                    mv = mskb[s, pl.ds(rbase + g * 16, 16)]
                    for j in range(16):
                        bm = bcast(mv, j)
                        accs = fma_one(s, rbase + g * 16 + j, bm, accs)
                    return accs

                zf = jnp.zeros((16,), jnp.float32)
                accs = lax.fori_loop(0, (L // 16), gbody, (zf, zf, zf, zf))
                mv = mskb[s, pl.ds(rbase + L - 16, 16)]
                for j in range(8, 16):
                    bm = bcast(mv, j)
                    accs = fma_one(s, rbase + L - 16 + j, bm, accs)
                for cc in range(4):
                    ob[sg, pl.ds(qoff + r * DP + cc * 16, 16)] = accs[cc]
                return carry

            lax.fori_loop(0, CH, rowbody, 0)

        cp_idx(0, 0)
        cp_msk(0, 0)
        wait_idx(0)
        gather(0)
        cp_idx(1, 1)
        cp_msk(1, 1)

        def body(c, carry):
            s = c % 2
            sg = (c // 4) % 2
            q = c % 4
            wait_gather(s)

            @pl.when(c + 2 < NCHUNK)
            def _():
                cp_idx(c + 2, s)

            @pl.when(c + 1 < NCHUNK)
            def _():
                wait_idx(1 - s)
                gather(1 - s)

            wait_msk(s)

            @pl.when(jnp.logical_and(q == 0, c >= 8))
            def _():
                wait_out(sg)

            compute(s, sg, q * (CH * DP))

            @pl.when(c + 2 < NCHUNK)
            def _():
                cp_msk(c + 2, s)

            @pl.when(q == 3)
            def _():
                out_copy(c, sg)

            return carry

        lax.fori_loop(0, NCHUNK, body, 0)
        wait_out(0)
        wait_out(1)

    return k(x.reshape(B * L), mask.reshape(B * L), tblw).reshape(B, DP)


def _mlp(pooled, w1p, b1, w2, b2):
    TB = 512

    def body(p_ref, w1_ref, b1_ref, w2_ref, b2_ref, o_ref):
        p = p_ref[...]
        h = jnp.dot(p, w1_ref[...], preferred_element_type=jnp.float32)
        h = jnp.maximum(h + b1_ref[...], 0.0)
        o_ref[...] = (
            jnp.dot(h, w2_ref[...], preferred_element_type=jnp.float32)
            + b2_ref[...]
        )

    return pl.pallas_call(
        body,
        grid=(B // TB,),
        in_specs=[
            pl.BlockSpec((TB, DP), lambda i: (i, 0)),
            pl.BlockSpec((DP, H), lambda i: (0, 0)),
            pl.BlockSpec((1, H), lambda i: (0, 0)),
            pl.BlockSpec((H, O), lambda i: (0, 0)),
            pl.BlockSpec((1, O), lambda i: (0, 0)),
        ],
        out_specs=pl.BlockSpec((TB, O), lambda i: (i, 0)),
        out_shape=jax.ShapeDtypeStruct((B, O), jnp.float32),
    )(pooled, w1p, b1, w2, b2)


def kernel(x, mask, embed_table, W1, b1, W2, b2):
    tblp = jnp.pad(embed_table, ((0, 0), (0, DP - D))).astype(jnp.bfloat16)
    tblw = lax.bitcast_convert_type(
        tblp.reshape(embed_table.shape[0], W, 2), jnp.int32)
    w1p = jnp.pad(W1 * (1.0 / L), ((0, DP - D), (0, 0)))[PERM, :]
    pooled = _sc_pool(x, mask, tblw)
    return _mlp(pooled, w1p, b1.reshape(1, H), W2, b2.reshape(1, O))

# --- scband reference (transcript-rebuilt; emitter-appended) ---
"""Pipeline reference for scband-qnet-21440476742493 (READ-ONLY COPY).

The authoritative reference and input builder live on the scoring server;
editing this copy changes nothing except your own understanding.
"""

import jax, jax.numpy as jnp
import numpy as np

MAX_FEATURES = 5000
EMBED_DIM = 50
HIDDEN = 100
OUT = 2
B = 16384
L = 200


def setup_inputs(seed: int = 0) -> dict:
    key = jax.random.key(seed)
    k_x, k_mask, k_emb, k_w1, k_b1, k_w2, k_b2 = jax.random.split(key, 7)
    x = jax.random.randint(k_x, (B, L), 0, MAX_FEATURES, dtype=jnp.int64 if jax.config.read('jax_enable_x64') else jnp.int32).astype(jnp.int32)
    mask = jax.random.uniform(k_mask, (B, L), dtype=jnp.float32)
    embed_table = jax.random.normal(k_emb, (MAX_FEATURES, EMBED_DIM), dtype=jnp.float32)
    W1 = jax.random.normal(k_w1, (EMBED_DIM, HIDDEN), dtype=jnp.float32) * 0.1
    b1 = jnp.zeros((HIDDEN,), dtype=jnp.float32)
    W2 = jax.random.normal(k_w2, (HIDDEN, OUT), dtype=jnp.float32) * 0.1
    b2 = jnp.zeros((OUT,), dtype=jnp.float32)
    return {"x": x, "mask": mask, "embed_table": embed_table, "W1": W1, "b1": b1, "W2": W2, "b2": b2}


def reference(x, mask, embed_table, W1, b1, W2, b2):
    # embedding lookup: [B, L, D]
    emb = jnp.take(embed_table, x, axis=0)
    # torch: transpose(1,2) -> [B, D, L]; multiply by mask.unsqueeze(1); mean over dim=2
    # equivalent: masked mean over L
    masked = emb * mask[:, :, None]
    pooled = jnp.mean(masked, axis=1)  # [B, D]
    h = jax.nn.relu(pooled @ W1 + b1)
    logits = h @ W2 + b2
    return logits

if __name__ == "__main__":
    import jax
    _d = setup_inputs()
    print(jax.jit(kernel)(*tuple(_d.values())))

</pallas_src>

<mosaic_0001>
#map = affine_map<(d0, d1) -> (0)>
#map1 = affine_map<(d0, d1) -> (0, 0)>
module attributes {stable_mosaic.version = 14 : i64} {
  func.func @k(%arg0: i32, %arg1: i32, %arg2: memref<3276800xi32, #tpu.memory_space<hbm>>, %arg3: memref<3276800xf32, #tpu.memory_space<hbm>>, %arg4: memref<5000x32xi32, #tpu.memory_space<hbm>>, %arg5: memref<1048576xf32, #tpu.memory_space<hbm>>, %arg6: memref<2x1600xi32, #tpu.memory_space<vmem>>, %arg7: memref<2x1600xf32, #tpu.memory_space<vmem>>, %arg8: memref<2x1600x32xi32, #tpu.memory_space<vmem>>, %arg9: memref<2x2048xf32, #tpu.memory_space<vmem>>, %arg10: memref<2x!tpu.dma_semaphore, #tpu.memory_space<semaphore_mem>>, %arg11: memref<2x!tpu.dma_semaphore, #tpu.memory_space<semaphore_mem>>, %arg12: memref<2x!tpu.dma_semaphore, #tpu.memory_space<semaphore_mem>>, %arg13: memref<2x!tpu.dma_semaphore, #tpu.memory_space<semaphore_mem>>) attributes {dimension_semantics = [#tpu.dimension_semantics<core_parallel>, #tpu.dimension_semantics<subcore_parallel>], iteration_bounds = array<i64: 2, 16>, scalar_prefetch = 0 : i64, scratch_operands = 8 : i64, tpu.core_type = #tpu.core_type<sc_vector_subcore>, window_params = [{transform_indices = #map}, {transform_indices = #map}, {transform_indices = #map1}, {transform_indices = #map}]} {
    %mul3A = arith.constant 2 : i32
    %mul3A_0 = arith.muli %arg1, %mul3A : i32
    %add3A = arith.addi %mul3A_0, %arg0 : i32
    %mul3A_1 = arith.constant 512 : i32
    %mul3A_2 = arith.muli %add3A, %mul3A_1 : i32
    %broadcast_in_dim3A = arith.constant -65536 : i32
    %broadcast_in_dim3A_3 = vector.broadcast %broadcast_in_dim3A : i32 to vector<16xi32>
    %broadcast_in_dim3A_4 = arith.constant 16 : i32
    %broadcast_in_dim3A_5 = vector.broadcast %broadcast_in_dim3A_4 : i32 to vector<16xi32>
    %broadcast_in_dim3A_6 = arith.constant 0 : i32
    %broadcast_in_dim3A_7 = vector.broadcast %broadcast_in_dim3A_6 : i32 to vector<16xi32>
    %broadcast_in_dim3A_8 = arith.constant 1 : i32
    %broadcast_in_dim3A_9 = vector.broadcast %broadcast_in_dim3A_8 : i32 to vector<16xi32>
    %broadcast_in_dim3A_10 = arith.constant 2 : i32
    %broadcast_in_dim3A_11 = vector.broadcast %broadcast_in_dim3A_10 : i32 to vector<16xi32>
    %broadcast_in_dim3A_12 = arith.constant 3 : i32
    %broadcast_in_dim3A_13 = vector.broadcast %broadcast_in_dim3A_12 : i32 to vector<16xi32>
    %broadcast_in_dim3A_14 = arith.constant 4 : i32
    %broadcast_in_dim3A_15 = vector.broadcast %broadcast_in_dim3A_14 : i32 to vector<16xi32>
    %broadcast_in_dim3A_16 = arith.constant 5 : i32
    %broadcast_in_dim3A_17 = vector.broadcast %broadcast_in_dim3A_16 : i32 to vector<16xi32>
    %broadcast_in_dim3A_18 = arith.constant 6 : i32
    %broadcast_in_dim3A_19 = vector.broadcast %broadcast_in_dim3A_18 : i32 to vector<16xi32>
    %broadcast_in_dim3A_20 = arith.constant 7 : i32
    %broadcast_in_dim3A_21 = vector.broadcast %broadcast_in_dim3A_20 : i32 to vector<16xi32>
    %broadcast_in_dim3A_22 = arith.constant 8 : i32
    %broadcast_in_dim3A_23 = vector.broadcast %broadcast_in_dim3A_22 : i32 to vector<16xi32>
    %broadcast_in_dim3A_24 = arith.constant 9 : i32
    %broadcast_in_dim3A_25 = vector.broadcast %broadcast_in_dim3A_24 : i32 to vector<16xi32>
    %broadcast_in_dim3A_26 = arith.constant 10 : i32
    %broadcast_in_dim3A_27 = vector.broadcast %broadcast_in_dim3A_26 : i32 to vector<16xi32>
    %broadcast_in_dim3A_28 = arith.constant 11 : i32
    %broadcast_in_dim3A_29 = vector.broadcast %broadcast_in_dim3A_28 : i32 to vector<16xi32>
    %broadcast_in_dim3A_30 = arith.constant 12 : i32
    %broadcast_in_dim3A_31 = vector.broadcast %broadcast_in_dim3A_30 : i32 to vector<16xi32>
    %broadcast_in_dim3A_32 = arith.constant 13 : i32
    %broadcast_in_dim3A_33 = vector.broadcast %broadcast_in_dim3A_32 : i32 to vector<16xi32>
    %broadcast_in_dim3A_34 = arith.constant 14 : i32
    %broadcast_in_dim3A_35 = vector.broadcast %broadcast_in_dim3A_34 : i32 to vector<16xi32>
    %broadcast_in_dim3A_36 = arith.constant 15 : i32
    %broadcast_in_dim3A_37 = vector.broadcast %broadcast_in_dim3A_36 : i32 to vector<16xi32>
    %add3A_38 = arith.constant 0 : i32
    %add3A_39 = arith.addi %mul3A_2, %add3A_38 : i32
    %mul3A_40 = arith.constant 200 : i32
    %mul3A_41 = arith.muli %add3A_39, %mul3A_40 : i32
    %dma_start3A = arith.constant 0 : i32
    %dma_start3A_42 = arith.constant 0 : i32
    %dma_start3A_43 = arith.constant 0 : i32
    %dma_start3A_44 = tpu.memref_slice %arg6[%dma_start3A, %dma_start3A_43] : memref<2x1600xi32, #tpu.memory_space<vmem>> -> memref<1x1600xi32, #tpu.memory_space<vmem>>
    %dma_start3A_45 = tpu.memref_squeeze %dma_start3A_44 : memref<1x1600xi32, #tpu.memory_space<vmem>> -> memref<1600xi32, #tpu.memory_space<vmem>>
    %dma_start3A_46 = tpu.memref_slice %arg2[%mul3A_41] : memref<3276800xi32, #tpu.memory_space<hbm>> -> memref<1600xi32, #tpu.memory_space<hbm>>
    %dma_start3A_47 = tpu.memref_slice %arg10[%dma_start3A_42] : memref<2x!tpu.dma_semaphore, #tpu.memory_space<semaphore_mem>> -> memref<1x!tpu.dma_semaphore, #tpu.memory_space<semaphore_mem>>
    %dma_start3A_48 = tpu.memref_squeeze %dma_start3A_47 : memref<1x!tpu.dma_semaphore, #tpu.memory_space<semaphore_mem>> -> memref<!tpu.dma_semaphore, #tpu.memory_space<semaphore_mem>>
    %dma_start3A_49 = arith.constant 0 : i32
    %dma_start3A_50 = tpu.memref_slice %arg6[%dma_start3A, %dma_start3A_49] : memref<2x1600xi32, #tpu.memory_space<vmem>> -> memref<1x1600xi32, #tpu.memory_space<vmem>>
    %dma_start3A_51 = tpu.memref_squeeze %dma_start3A_50 : memref<1x1600xi32, #tpu.memory_space<vmem>> -> memref<1600xi32, #tpu.memory_space<vmem>>
    %dma_start3A_52 = tpu.memref_slice %arg2[%mul3A_41] : memref<3276800xi32, #tpu.memory_space<hbm>> -> memref<1600xi32, #tpu.memory_space<hbm>>
    tpu.enqueue_dma source(%dma_start3A_52 : memref<1600xi32, #tpu.memory_space<hbm>>) target(%dma_start3A_51 : memref<1600xi32, #tpu.memory_space<vmem>>) target_semaphore(%dma_start3A_48 : memref<!tpu.dma_semaphore, #tpu.memory_space<semaphore_mem>>)
    %add3A_53 = arith.constant 0 : i32
    %add3A_54 = arith.addi %mul3A_2, %add3A_53 : i32
    %mul3A_55 = arith.constant 200 : i32
    %mul3A_56 = arith.muli %add3A_54, %mul3A_55 : i32
    %dma_start3A_57 = arith.constant 0 : i32
    %dma_start3A_58 = arith.constant 0 : i32
    %dma_start3A_59 = arith.constant 0 : i32
    %dma_start3A_60 = tpu.memref_slice %arg7[%dma_start3A_57, %dma_start3A_59] : memref<2x1600xf32, #tpu.memory_space<vmem>> -> memref<1x1600xf32, #tpu.memory_space<vmem>>
    %dma_start3A_61 = tpu.memref_squeeze %dma_start3A_60 : memref<1x1600xf32, #tpu.memory_space<vmem>> -> memref<1600xf32, #tpu.memory_space<vmem>>
    %dma_start3A_62 = tpu.memref_slice %arg3[%mul3A_56] : memref<3276800xf32, #tpu.memory_space<hbm>> -> memref<1600xf32, #tpu.memory_space<hbm>>
    %dma_start3A_63 = tpu.memref_slice %arg11[%dma_start3A_58] : memref<2x!tpu.dma_semaphore, #tpu.memory_space<semaphore_mem>> -> memref<1x!tpu.dma_semaphore, #tpu.memory_space<semaphore_mem>>
    %dma_start3A_64 = tpu.memref_squeeze %dma_start3A_63 : memref<1x!tpu.dma_semaphore, #tpu.memory_space<semaphore_mem>> -> memref<!tpu.dma_semaphore, #tpu.memory_space<semaphore_mem>>
    %dma_start3A_65 = arith.constant 0 : i32
    %dma_start3A_66 = tpu.memref_slice %arg7[%dma_start3A_57, %dma_start3A_65] : memref<2x1600xf32, #tpu.memory_space<vmem>> -> memref<1x1600xf32, #tpu.memory_space<vmem>>
    %dma_start3A_67 = tpu.memref_squeeze %dma_start3A_66 : memref<1x1600xf32, #tpu.memory_space<vmem>> -> memref<1600xf32, #tpu.memory_space<vmem>>
    %dma_start3A_68 = tpu.memref_slice %arg3[%mul3A_56] : memref<3276800xf32, #tpu.memory_space<hbm>> -> memref<1600xf32, #tpu.memory_space<hbm>>
    tpu.enqueue_dma source(%dma_start3A_68 : memref<1600xf32, #tpu.memory_space<hbm>>) target(%dma_start3A_67 : memref<1600xf32, #tpu.memory_space<vmem>>) target_semaphore(%dma_start3A_64 : memref<!tpu.dma_semaphore, #tpu.memory_space<semaphore_mem>>)
    %dma_wait3A = arith.constant 0 : i32
    %dma_wait3A_69 = arith.constant 0 : i32
    %dma_wait3A_70 = arith.constant 0 : i32
    %dma_wait3A_71 = tpu.memref_slice %arg6[%dma_wait3A, %dma_wait3A_70] : memref<2x1600xi32, #tpu.memory_space<vmem>> -> memref<1x1600xi32, #tpu.memory_space<vmem>>
    %dma_wait3A_72 = tpu.memref_squeeze %dma_wait3A_71 : memref<1x1600xi32, #tpu.memory_space<vmem>> -> memref<1600xi32, #tpu.memory_space<vmem>>
    %dma_wait3A_73 = arith.constant 0 : i32
    %dma_wait3A_74 = tpu.memref_slice %arg2[%dma_wait3A_73] : memref<3276800xi32, #tpu.memory_space<hbm>> -> memref<1600xi32, #tpu.memory_space<hbm>>
    %dma_wait3A_75 = tpu.memref_slice %arg10[%dma_wait3A_69] : memref<2x!tpu.dma_semaphore, #tpu.memory_space<semaphore_mem>> -> memref<1x!tpu.dma_semaphore, #tpu.memory_space<semaphore_mem>>
    %dma_wait3A_76 = tpu.memref_squeeze %dma_wait3A_75 : memref<1x!tpu.dma_semaphore, #tpu.memory_space<semaphore_mem>> -> memref<!tpu.dma_semaphore, #tpu.memory_space<semaphore_mem>>
    %dma_wait3A_77 = arith.constant 0 : i32
    %dma_wait3A_78 = tpu.memref_slice %arg6[%dma_wait3A, %dma_wait3A_77] : memref<2x1600xi32, #tpu.memory_space<vmem>> -> memref<1x1600xi32, #tpu.memory_space<vmem>>
    %dma_wait3A_79 = tpu.memref_squeeze %dma_wait3A_78 : memref<1x1600xi32, #tpu.memory_space<vmem>> -> memref<1600xi32, #tpu.memory_space<vmem>>
    %dma_wait3A_80 = arith.constant 0 : i32
    %dma_wait3A_81 = tpu.memref_slice %arg2[%dma_wait3A_80] : memref<3276800xi32, #tpu.memory_space<hbm>> -> memref<1600xi32, #tpu.memory_space<hbm>>
    tpu.wait_dma2 semaphore(%dma_wait3A_76 : memref<!tpu.dma_semaphore, #tpu.memory_space<semaphore_mem>>) src(%dma_wait3A_81 : memref<1600xi32, #tpu.memory_space<hbm>>) dst(%dma_wait3A_79 : memref<1600xi32, #tpu.memory_space<vmem>>)
    %dma_start3A_82 = arith.constant 0 : i32
    %dma_start3A_83 = arith.constant 0 : i32
    %dma_start3A_84 = arith.constant 0 : i32
    %dma_start3A_85 = arith.constant 0 : i32
    %dma_start3A_86 = arith.constant 0 : i32
    %dma_start3A_87 = tpu.memref_slice %arg8[%dma_start3A_83, %dma_start3A_85, %dma_start3A_86] : memref<2x1600x32xi32, #tpu.memory_space<vmem>> -> memref<1x1600x32xi32, #tpu.memory_space<vmem>>
    %dma_start3A_88 = tpu.memref_squeeze %dma_start3A_87 : memref<1x1600x32xi32, #tpu.memory_space<vmem>> -> memref<1600x32xi32, #tpu.memory_space<vmem>>
    %dma_start3A_89 = arith.constant 0 : i32
    %dma_start3A_90 = tpu.memref_slice %arg6[%dma_start3A_82, %dma_start3A_89] : memref<2x1600xi32, #tpu.memory_space<vmem>> -> memref<1x1600xi32, #tpu.memory_space<vmem>>
    %dma_start3A_91 = tpu.memref_squeeze %dma_start3A_90 : memref<1x1600xi32, #tpu.memory_space<vmem>> -> memref<1600xi32, #tpu.memory_space<vmem>>
    %dma_start3A_92 = arith.constant 0 : i32
    %dma_start3A_93 = arith.constant 0 : i32
    %dma_start3A_94 = tpu.memref_slice %arg4[%dma_start3A_92, %dma_start3A_93] : memref<5000x32xi32, #tpu.memory_space<hbm>> -> memref<5000x32xi32, #tpu.memory_space<hbm>>
    %dma_start3A_95 = tpu.memref_slice %arg12[%dma_start3A_84] : memref<2x!tpu.dma_semaphore, #tpu.memory_space<semaphore_mem>> -> memref<1x!tpu.dma_semaphore, #tpu.memory_space<semaphore_mem>>
    %dma_start3A_96 = tpu.memref_squeeze %dma_start3A_95 : memref<1x!tpu.dma_semaphore, #tpu.memory_space<semaphore_mem>> -> memref<!tpu.dma_semaphore, #tpu.memory_space<semaphore_mem>>
    tpu.enqueue_indirect_dma source(%dma_start3A_94 : memref<5000x32xi32, #tpu.memory_space<hbm>>) target(%dma_start3A_88 : memref<1600x32xi32, #tpu.memory_space<vmem>>) offsets(%dma_start3A_91 : memref<1600xi32, #tpu.memory_space<vmem>>) semaphore(%dma_start3A_96 : memref<!tpu.dma_semaphore, #tpu.memory_space<semaphore_mem>>)
    %add3A_97 = arith.constant 8 : i32
    %add3A_98 = arith.addi %mul3A_2, %add3A_97 : i32
    %mul3A_99 = arith.constant 200 : i32
    %mul3A_100 = arith.muli %add3A_98, %mul3A_99 : i32
    %dma_start3A_101 = arith.constant 1 : i32
    %dma_start3A_102 = arith.constant 1 : i32
    %dma_start3A_103 = arith.constant 0 : i32
    %dma_start3A_104 = tpu.memref_slice %arg6[%dma_start3A_101, %dma_start3A_103] : memref<2x1600xi32, #tpu.memory_space<vmem>> -> memref<1x1600xi32, #tpu.memory_space<vmem>>
    %dma_start3A_105 = tpu.memref_squeeze %dma_start3A_104 : memref<1x1600xi32, #tpu.memory_space<vmem>> -> memref<1600xi32, #tpu.memory_space<vmem>>
    %dma_start3A_106 = tpu.memref_slice %arg2[%mul3A_100] : memref<3276800xi32, #tpu.memory_space<hbm>> -> memref<1600xi32, #tpu.memory_space<hbm>>
    %dma_start3A_107 = tpu.memref_slice %arg10[%dma_start3A_102] : memref<2x!tpu.dma_semaphore, #tpu.memory_space<semaphore_mem>> -> memref<1x!tpu.dma_semaphore, #tpu.memory_space<semaphore_mem>>
    %dma_start3A_108 = tpu.memref_squeeze %dma_start3A_107 : memref<1x!tpu.dma_semaphore, #tpu.memory_space<semaphore_mem>> -> memref<!tpu.dma_semaphore, #tpu.memory_space<semaphore_mem>>
    %dma_start3A_109 = arith.constant 0 : i32
    %dma_start3A_110 = tpu.memref_slice %arg6[%dma_start3A_101, %dma_start3A_109] : memref<2x1600xi32, #tpu.memory_space<vmem>> -> memref<1x1600xi32, #tpu.memory_space<vmem>>
    %dma_start3A_111 = tpu.memref_squeeze %dma_start3A_110 : memref<1x1600xi32, #tpu.memory_space<vmem>> -> memref<1600xi32, #tpu.memory_space<vmem>>
    %dma_start3A_112 = tpu.memref_slice %arg2[%mul3A_100] : memref<3276800xi32, #tpu.memory_space<hbm>> -> memref<1600xi32, #tpu.memory_space<hbm>>
    tpu.enqueue_dma source(%dma_start3A_112 : memref<1600xi32, #tpu.memory_space<hbm>>) target(%dma_start3A_111 : memref<1600xi32, #tpu.memory_space<vmem>>) target_semaphore(%dma_start3A_108 : memref<!tpu.dma_semaphore, #tpu.memory_space<semaphore_mem>>)
    %add3A_113 = arith.constant 8 : i32
    %add3A_114 = arith.addi %mul3A_2, %add3A_113 : i32
    %mul3A_115 = arith.constant 200 : i32
    %mul3A_116 = arith.muli %add3A_114, %mul3A_115 : i32
    %dma_start3A_117 = arith.constant 1 : i32
    %dma_start3A_118 = arith.constant 1 : i32
    %dma_start3A_119 = arith.constant 0 : i32
    %dma_start3A_120 = tpu.memref_slice %arg7[%dma_start3A_117, %dma_start3A_119] : memref<2x1600xf32, #tpu.memory_space<vmem>> -> memref<1x1600xf32, #tpu.memory_space<vmem>>
    %dma_start3A_121 = tpu.memref_squeeze %dma_start3A_120 : memref<1x1600xf32, #tpu.memory_space<vmem>> -> memref<1600xf32, #tpu.memory_space<vmem>>
    %dma_start3A_122 = tpu.memref_slice %arg3[%mul3A_116] : memref<3276800xf32, #tpu.memory_space<hbm>> -> memref<1600xf32, #tpu.memory_space<hbm>>
    %dma_start3A_123 = tpu.memref_slice %arg11[%dma_start3A_118] : memref<2x!tpu.dma_semaphore, #tpu.memory_space<semaphore_mem>> -> memref<1x!tpu.dma_semaphore, #tpu.memory_space<semaphore_mem>>
    %dma_start3A_124 = tpu.memref_squeeze %dma_start3A_123 : memref<1x!tpu.dma_semaphore, #tpu.memory_space<semaphore_mem>> -> memref<!tpu.dma_semaphore, #tpu.memory_space<semaphore_mem>>
    %dma_start3A_125 = arith.constant 0 : i32
    %dma_start3A_126 = tpu.memref_slice %arg7[%dma_start3A_117, %dma_start3A_125] : memref<2x1600xf32, #tpu.memory_space<vmem>> -> memref<1x1600xf32, #tpu.memory_space<vmem>>
    %dma_start3A_127 = tpu.memref_squeeze %dma_start3A_126 : memref<1x1600xf32, #tpu.memory_space<vmem>> -> memref<1600xf32, #tpu.memory_space<vmem>>
    %dma_start3A_128 = tpu.memref_slice %arg3[%mul3A_116] : memref<3276800xf32, #tpu.memory_space<hbm>> -> memref<1600xf32, #tpu.memory_space<hbm>>
    tpu.enqueue_dma source(%dma_start3A_128 : memref<1600xf32, #tpu.memory_space<hbm>>) target(%dma_start3A_127 : memref<1600xf32, #tpu.memory_space<vmem>>) target_semaphore(%dma_start3A_124 : memref<!tpu.dma_semaphore, #tpu.memory_space<semaphore_mem>>)
    %scan3A = arith.constant 0 : i32
    %scan3A_129 = arith.constant 0 : i32
    %scan3A_130 = arith.constant 64 : i32
    %scan3A_131 = arith.addi %scan3A_129, %scan3A_130 : i32
    %scan3A_132 = arith.constant 1 : i32
    scf.for %scan3A_162 = %scan3A_129 to %scan3A_131 step %scan3A_132  : i32 {
      %jit3A = arith.constant 2 : i32
      %eq3A = arith.constant 0 : i32
      %eq3A_163 = arith.cmpi eq, %jit3A, %eq3A : i32
      %jit3A_164 = arith.constant 1 : i32
      %select_n3A = arith.select %eq3A_163, %jit3A_164, %jit3A : i32
      %rem3A = arith.remsi %scan3A_162, %select_n3A : i32
      %ne3A = arith.constant 0 : i32
      %ne3A_165 = arith.cmpi ne, %rem3A, %ne3A : i32
      %lt3A = arith.constant 0 : i32
      %lt3A_166 = arith.cmpi slt, %rem3A, %lt3A : i32
      %lt3A_167 = arith.constant 0 : i32
      %lt3A_168 = arith.cmpi slt, %select_n3A, %lt3A_167 : i32
      %ne3A_169 = arith.xori %lt3A_166, %lt3A_168 : i1
      %and3A = arith.andi %ne3A_169, %ne3A_165 : i1
      %add3A_170 = arith.addi %rem3A, %select_n3A : i32
      %select_n3A_171 = arith.select %and3A, %add3A_170, %rem3A : i32
      %jit3A_172 = arith.constant 4 : i32
      %div3A = arith.divsi %scan3A_162, %jit3A_172 : i32
      %sign3A = arith.constant 0 : i32
      %sign3A_173 = arith.cmpi sgt, %scan3A_162, %sign3A : i32
      %sign3A_174 = arith.extui %sign3A_173 : i1 to i32
      %sign3A_175 = arith.constant 0 : i32
      %sign3A_176 = arith.cmpi slt, %scan3A_162, %sign3A_175 : i32
      %sign3A_177 = arith.extui %sign3A_176 : i1 to i32
      %sign3A_178 = arith.subi %sign3A_174, %sign3A_177 : i32
      %sign3A_179 = arith.constant 0 : i32
      %sign3A_180 = arith.cmpi sgt, %jit3A_172, %sign3A_179 : i32
      %sign3A_181 = arith.extui %sign3A_180 : i1 to i32
      %sign3A_182 = arith.constant 0 : i32
      %sign3A_183 = arith.cmpi slt, %jit3A_172, %sign3A_182 : i32
      %sign3A_184 = arith.extui %sign3A_183 : i1 to i32
      %sign3A_185 = arith.subi %sign3A_181, %sign3A_184 : i32
      %ne3A_186 = arith.cmpi ne, %sign3A_178, %sign3A_185 : i32
      %rem3A_187 = arith.remsi %scan3A_162, %jit3A_172 : i32
      %ne3A_188 = arith.constant 0 : i32
      %ne3A_189 = arith.cmpi ne, %rem3A_187, %ne3A_188 : i32
      %and3A_190 = arith.andi %ne3A_186, %ne3A_189 : i1
      %sub3A = arith.constant 1 : i32
      %sub3A_191 = arith.subi %div3A, %sub3A : i32
      %select_n3A_192 = arith.select %and3A_190, %sub3A_191, %div3A : i32
      %jit3A_193 = arith.constant 2 : i32
      %eq3A_194 = arith.constant 0 : i32
      %eq3A_195 = arith.cmpi eq, %jit3A_193, %eq3A_194 : i32
      %jit3A_196 = arith.constant 1 : i32
      %select_n3A_197 = arith.select %eq3A_195, %jit3A_196, %jit3A_193 : i32
      %rem3A_198 = arith.remsi %select_n3A_192, %select_n3A_197 : i32
      %ne3A_199 = arith.constant 0 : i32
      %ne3A_200 = arith.cmpi ne, %rem3A_198, %ne3A_199 : i32
      %lt3A_201 = arith.constant 0 : i32
      %lt3A_202 = arith.cmpi slt, %rem3A_198, %lt3A_201 : i32
      %lt3A_203 = arith.constant 0 : i32
      %lt3A_204 = arith.cmpi slt, %select_n3A_197, %lt3A_203 : i32
      %ne3A_205 = arith.xori %lt3A_202, %lt3A_204 : i1
      %and3A_206 = arith.andi %ne3A_205, %ne3A_200 : i1
      %add3A_207 = arith.addi %rem3A_198, %select_n3A_197 : i32
      %select_n3A_208 = arith.select %and3A_206, %add3A_207, %rem3A_198 : i32
      %jit3A_209 = arith.constant 4 : i32
      %eq3A_210 = arith.constant 0 : i32
      %eq3A_211 = arith.cmpi eq, %jit3A_209, %eq3A_210 : i32
      %jit3A_212 = arith.constant 1 : i32
      %select_n3A_213 = arith.select %eq3A_211, %jit3A_212, %jit3A_209 : i32
      %rem3A_214 = arith.remsi %scan3A_162, %select_n3A_213 : i32
      %ne3A_215 = arith.constant 0 : i32
      %ne3A_216 = arith.cmpi ne, %rem3A_214, %ne3A_215 : i32
      %lt3A_217 = arith.constant 0 : i32
      %lt3A_218 = arith.cmpi slt, %rem3A_214, %lt3A_217 : i32
      %lt3A_219 = arith.constant 0 : i32
      %lt3A_220 = arith.cmpi slt, %select_n3A_213, %lt3A_219 : i32
      %ne3A_221 = arith.xori %lt3A_218, %lt3A_220 : i1
      %and3A_222 = arith.andi %ne3A_221, %ne3A_216 : i1
      %add3A_223 = arith.addi %rem3A_214, %select_n3A_213 : i32
      %select_n3A_224 = arith.select %and3A_222, %add3A_223, %rem3A_214 : i32
      %dma_wait3A_225 = arith.constant 0 : i32
      %dma_wait3A_226 = arith.constant 0 : i32
      %dma_wait3A_227 = arith.constant 0 : i32
      %dma_wait3A_228 = tpu.memref_slice %arg8[%select_n3A_171, %dma_wait3A_226, %dma_wait3A_227] : memref<2x1600x32xi32, #tpu.memory_space<vmem>> -> memref<1x1600x32xi32, #tpu.memory_space<vmem>>
      %dma_wait3A_229 = tpu.memref_squeeze %dma_wait3A_228 : memref<1x1600x32xi32, #tpu.memory_space<vmem>> -> memref<1600x32xi32, #tpu.memory_space<vmem>>
      %dma_wait3A_230 = arith.constant 0 : i32
      %dma_wait3A_231 = tpu.memref_slice %arg6[%dma_wait3A_225, %dma_wait3A_230] : memref<2x1600xi32, #tpu.memory_space<vmem>> -> memref<1x1600xi32, #tpu.memory_space<vmem>>
      %dma_wait3A_232 = tpu.memref_squeeze %dma_wait3A_231 : memref<1x1600xi32, #tpu.memory_space<vmem>> -> memref<1600xi32, #tpu.memory_space<vmem>>
      %dma_wait3A_233 = arith.constant 0 : i32
      %dma_wait3A_234 = arith.constant 0 : i32
      %dma_wait3A_235 = tpu.memref_slice %arg4[%dma_wait3A_233, %dma_wait3A_234] : memref<5000x32xi32, #tpu.memory_space<hbm>> -> memref<5000x32xi32, #tpu.memory_space<hbm>>
      %dma_wait3A_236 = tpu.memref_slice %arg12[%select_n3A_171] : memref<2x!tpu.dma_semaphore, #tpu.memory_space<semaphore_mem>> -> memref<1x!tpu.dma_semaphore, #tpu.memory_space<semaphore_mem>>
      %dma_wait3A_237 = tpu.memref_squeeze %dma_wait3A_236 : memref<1x!tpu.dma_semaphore, #tpu.memory_space<semaphore_mem>> -> memref<!tpu.dma_semaphore, #tpu.memory_space<semaphore_mem>>
      tpu.wait_indirect_dma semaphore(%dma_wait3A_237 : memref<!tpu.dma_semaphore, #tpu.memory_space<semaphore_mem>>) src(%dma_wait3A_235 : memref<5000x32xi32, #tpu.memory_space<hbm>>) dst(%dma_wait3A_229 : memref<1600x32xi32, #tpu.memory_space<vmem>>)
      %add3A_238 = arith.constant 2 : i32
      %add3A_239 = arith.addi %scan3A_162, %add3A_238 : i32
      %lt3A_240 = arith.constant 64 : i32
      %lt3A_241 = arith.cmpi slt, %add3A_239, %lt3A_240 : i32
      %convert_element_type3A = arith.extui %lt3A_241 : i1 to i32
      %cond3A = arith.constant 0 : i32
      %cond3A_242 = arith.cmpi ne, %convert_element_type3A, %cond3A : i32
      scf.if %cond3A_242 {
        %add3A_289 = arith.constant 2 : i32
        %add3A_290 = arith.addi %scan3A_162, %add3A_289 : i32
        %mul3A_291 = arith.constant 8 : i32
        %mul3A_292 = arith.muli %add3A_290, %mul3A_291 : i32
        %add3A_293 = arith.addi %mul3A_2, %mul3A_292 : i32
        %mul3A_294 = arith.constant 200 : i32
        %mul3A_295 = arith.muli %add3A_293, %mul3A_294 : i32
        %dma_start3A_296 = arith.constant 0 : i32
        %dma_start3A_297 = tpu.memref_slice %arg6[%select_n3A_171, %dma_start3A_296] : memref<2x1600xi32, #tpu.memory_space<vmem>> -> memref<1x1600xi32, #tpu.memory_space<vmem>>
        %dma_start3A_298 = tpu.memref_squeeze %dma_start3A_297 : memref<1x1600xi32, #tpu.memory_space<vmem>> -> memref<1600xi32, #tpu.memory_space<vmem>>
        %dma_start3A_299 = tpu.memref_slice %arg2[%mul3A_295] : memref<3276800xi32, #tpu.memory_space<hbm>> -> memref<1600xi32, #tpu.memory_space<hbm>>
        %dma_start3A_300 = tpu.memref_slice %arg10[%select_n3A_171] : memref<2x!tpu.dma_semaphore, #tpu.memory_space<semaphore_mem>> -> memref<1x!tpu.dma_semaphore, #tpu.memory_space<semaphore_mem>>
        %dma_start3A_301 = tpu.memref_squeeze %dma_start3A_300 : memref<1x!tpu.dma_semaphore, #tpu.memory_space<semaphore_mem>> -> memref<!tpu.dma_semaphore, #tpu.memory_space<semaphore_mem>>
        %dma_start3A_302 = arith.constant 0 : i32
        %dma_start3A_303 = tpu.memref_slice %arg6[%select_n3A_171, %dma_start3A_302] : memref<2x1600xi32, #tpu.memory_space<vmem>> -> memref<1x1600xi32, #tpu.memory_space<vmem>>
        %dma_start3A_304 = tpu.memref_squeeze %dma_start3A_303 : memref<1x1600xi32, #tpu.memory_space<vmem>> -> memref<1600xi32, #tpu.memory_space<vmem>>
        %dma_start3A_305 = tpu.memref_slice %arg2[%mul3A_295] : memref<3276800xi32, #tpu.memory_space<hbm>> -> memref<1600xi32, #tpu.memory_space<hbm>>
        tpu.enqueue_dma source(%dma_start3A_305 : memref<1600xi32, #tpu.memory_space<hbm>>) target(%dma_start3A_304 : memref<1600xi32, #tpu.memory_space<vmem>>) target_semaphore(%dma_start3A_301 : memref<!tpu.dma_semaphore, #tpu.memory_space<semaphore_mem>>)
      } else {
      }
      %add3A_243 = arith.constant 1 : i32
      %add3A_244 = arith.addi %scan3A_162, %add3A_243 : i32
      %lt3A_245 = arith.constant 64 : i32
      %lt3A_246 = arith.cmpi slt, %add3A_244, %lt3A_245 : i32
      %convert_element_type3A_247 = arith.extui %lt3A_246 : i1 to i32
      %cond3A_248 = arith.constant 0 : i32
      %cond3A_249 = arith.cmpi ne, %convert_element_type3A_247, %cond3A_248 : i32
      scf.if %cond3A_249 {
        %sub3A_289 = arith.constant 1 : i32
        %sub3A_290 = arith.subi %sub3A_289, %select_n3A_171 : i32
        %dma_wait3A_291 = arith.constant 0 : i32
        %dma_wait3A_292 = tpu.memref_slice %arg6[%sub3A_290, %dma_wait3A_291] : memref<2x1600xi32, #tpu.memory_space<vmem>> -> memref<1x1600xi32, #tpu.memory_space<vmem>>
        %dma_wait3A_293 = tpu.memref_squeeze %dma_wait3A_292 : memref<1x1600xi32, #tpu.memory_space<vmem>> -> memref<1600xi32, #tpu.memory_space<vmem>>
        %dma_wait3A_294 = arith.constant 0 : i32
        %dma_wait3A_295 = tpu.memref_slice %arg2[%dma_wait3A_294] : memref<3276800xi32, #tpu.memory_space<hbm>> -> memref<1600xi32, #tpu.memory_space<hbm>>
        %dma_wait3A_296 = tpu.memref_slice %arg10[%sub3A_290] : memref<2x!tpu.dma_semaphore, #tpu.memory_space<semaphore_mem>> -> memref<1x!tpu.dma_semaphore, #tpu.memory_space<semaphore_mem>>
        %dma_wait3A_297 = tpu.memref_squeeze %dma_wait3A_296 : memref<1x!tpu.dma_semaphore, #tpu.memory_space<semaphore_mem>> -> memref<!tpu.dma_semaphore, #tpu.memory_space<semaphore_mem>>
        %dma_wait3A_298 = arith.constant 0 : i32
        %dma_wait3A_299 = tpu.memref_slice %arg6[%sub3A_290, %dma_wait3A_298] : memref<2x1600xi32, #tpu.memory_space<vmem>> -> memref<1x1600xi32, #tpu.memory_space<vmem>>
        %dma_wait3A_300 = tpu.memref_squeeze %dma_wait3A_299 : memref<1x1600xi32, #tpu.memory_space<vmem>> -> memref<1600xi32, #tpu.memory_space<vmem>>
        %dma_wait3A_301 = arith.constant 0 : i32
        %dma_wait3A_302 = tpu.memref_slice %arg2[%dma_wait3A_301] : memref<3276800xi32, #tpu.memory_space<hbm>> -> memref<1600xi32, #tpu.memory_space<hbm>>
        tpu.wait_dma2 semaphore(%dma_wait3A_297 : memref<!tpu.dma_semaphore, #tpu.memory_space<semaphore_mem>>) src(%dma_wait3A_302 : memref<1600xi32, #tpu.memory_space<hbm>>) dst(%dma_wait3A_300 : memref<1600xi32, #tpu.memory_space<vmem>>)
        %sub3A_303 = arith.constant 1 : i32
        %sub3A_304 = arith.subi %sub3A_303, %select_n3A_171 : i32
        %dma_start3A_305 = arith.constant 0 : i32
        %dma_start3A_306 = arith.constant 0 : i32
        %dma_start3A_307 = tpu.memref_slice %arg8[%sub3A_304, %dma_start3A_305, %dma_start3A_306] : memref<2x1600x32xi32, #tpu.memory_space<vmem>> -> memref<1x1600x32xi32, #tpu.memory_space<vmem>>
        %dma_start3A_308 = tpu.memref_squeeze %dma_start3A_307 : memref<1x1600x32xi32, #tpu.memory_space<vmem>> -> memref<1600x32xi32, #tpu.memory_space<vmem>>
        %dma_start3A_309 = arith.constant 0 : i32
        %dma_start3A_310 = tpu.memref_slice %arg6[%sub3A_304, %dma_start3A_309] : memref<2x1600xi32, #tpu.memory_space<vmem>> -> memref<1x1600xi32, #tpu.memory_space<vmem>>
        %dma_start3A_311 = tpu.memref_squeeze %dma_start3A_310 : memref<1x1600xi32, #tpu.memory_space<vmem>> -> memref<1600xi32, #tpu.memory_space<vmem>>
        %dma_start3A_312 = arith.constant 0 : i32
        %dma_start3A_313 = arith.constant 0 : i32
        %dma_start3A_314 = tpu.memref_slice %arg4[%dma_start3A_312, %dma_start3A_313] : memref<5000x32xi32, #tpu.memory_space<hbm>> -> memref<5000x32xi32, #tpu.memory_space<hbm>>
        %dma_start3A_315 = tpu.memref_slice %arg12[%sub3A_304] : memref<2x!tpu.dma_semaphore, #tpu.memory_space<semaphore_mem>> -> memref<1x!tpu.dma_semaphore, #tpu.memory_space<semaphore_mem>>
        %dma_start3A_316 = tpu.memref_squeeze %dma_start3A_315 : memref<1x!tpu.dma_semaphore, #tpu.memory_space<semaphore_mem>> -> memref<!tpu.dma_semaphore, #tpu.memory_space<semaphore_mem>>
        tpu.enqueue_indirect_dma source(%dma_start3A_314 : memref<5000x32xi32, #tpu.memory_space<hbm>>) target(%dma_start3A_308 : memref<1600x32xi32, #tpu.memory_space<vmem>>) offsets(%dma_start3A_311 : memref<1600xi32, #tpu.memory_space<vmem>>) semaphore(%dma_start3A_316 : memref<!tpu.dma_semaphore, #tpu.memory_space<semaphore_mem>>)
      } else {
      }
      %dma_wait3A_250 = arith.constant 0 : i32
      %dma_wait3A_251 = tpu.memref_slice %arg7[%select_n3A_171, %dma_wait3A_250] : memref<2x1600xf32, #tpu.memory_space<vmem>> -> memref<1x1600xf32, #tpu.memory_space<vmem>>
      %dma_wait3A_252 = tpu.memref_squeeze %dma_wait3A_251 : memref<1x1600xf32, #tpu.memory_space<vmem>> -> memref<1600xf32, #tpu.memory_space<vmem>>
      %dma_wait3A_253 = arith.constant 0 : i32
      %dma_wait3A_254 = tpu.memref_slice %arg3[%dma_wait3A_253] : memref<3276800xf32, #tpu.memory_space<hbm>> -> memref<1600xf32, #tpu.memory_space<hbm>>
      %dma_wait3A_255 = tpu.memref_slice %arg11[%select_n3A_171] : memref<2x!tpu.dma_semaphore, #tpu.memory_space<semaphore_mem>> -> memref<1x!tpu.dma_semaphore, #tpu.memory_space<semaphore_mem>>
      %dma_wait3A_256 = tpu.memref_squeeze %dma_wait3A_255 : memref<1x!tpu.dma_semaphore, #tpu.memory_space<semaphore_mem>> -> memref<!tpu.dma_semaphore, #tpu.memory_space<semaphore_mem>>
      %dma_wait3A_257 = arith.constant 0 : i32
      %dma_wait3A_258 = tpu.memref_slice %arg7[%select_n3A_171, %dma_wait3A_257] : memref<2x1600xf32, #tpu.memory_space<vmem>> -> memref<1x1600xf32, #tpu.memory_space<vmem>>
      %dma_wait3A_259 = tpu.memref_squeeze %dma_wait3A_258 : memref<1x1600xf32, #tpu.memory_space<vmem>> -> memref<1600xf32, #tpu.memory_space<vmem>>
      %dma_wait3A_260 = arith.constant 0 : i32
      %dma_wait3A_261 = tpu.memref_slice %arg3[%dma_wait3A_260] : memref<3276800xf32, #tpu.memory_space<hbm>> -> memref<1600xf32, #tpu.memory_space<hbm>>
      tpu.wait_dma2 semaphore(%dma_wait3A_256 : memref<!tpu.dma_semaphore, #tpu.memory_space<semaphore_mem>>) src(%dma_wait3A_261 : memref<1600xf32, #tpu.memory_space<hbm>>) dst(%dma_wait3A_259 : memref<1600xf32, #tpu.memory_space<vmem>>)
      %eq3A_262 = arith.constant 0 : i32
      %eq3A_263 = arith.cmpi eq, %select_n3A_224, %eq3A_262 : i32
      %ge3A = arith.constant 8 : i32
      %ge3A_264 = arith.cmpi sge, %scan3A_162, %ge3A : i32
      %and3A_265 = arith.andi %eq3A_263, %ge3A_264 : i1
      %convert_element_type3A_266 = arith.extui %and3A_265 : i1 to i32
      %cond3A_267 = arith.constant 0 : i32
      %cond3A_268 = arith.cmpi ne, %convert_element_type3A_266, %cond3A_267 : i32
      scf.if %cond3A_268 {
        %dma_wait3A_289 = arith.constant 0 : i32
        %dma_wait3A_290 = tpu.memref_slice %arg9[%select_n3A_208, %dma_wait3A_289] : memref<2x2048xf32, #tpu.memory_space<vmem>> -> memref<1x2048xf32, #tpu.memory_space<vmem>>
        %dma_wait3A_291 = tpu.memref_squeeze %dma_wait3A_290 : memref<1x2048xf32, #tpu.memory_space<vmem>> -> memref<2048xf32, #tpu.memory_space<vmem>>
        %dma_wait3A_292 = arith.constant 0 : i32
        %dma_wait3A_293 = tpu.memref_slice %arg5[%dma_wait3A_292] : memref<1048576xf32, #tpu.memory_space<hbm>> -> memref<2048xf32, #tpu.memory_space<hbm>>
        %dma_wait3A_294 = tpu.memref_slice %arg13[%select_n3A_208] : memref<2x!tpu.dma_semaphore, #tpu.memory_space<semaphore_mem>> -> memref<1x!tpu.dma_semaphore, #tpu.memory_space<semaphore_mem>>
        %dma_wait3A_295 = tpu.memref_squeeze %dma_wait3A_294 : memref<1x!tpu.dma_semaphore, #tpu.memory_space<semaphore_mem>> -> memref<!tpu.dma_semaphore, #tpu.memory_space<semaphore_mem>>
        %dma_wait3A_296 = arith.constant 0 : i32
        %dma_wait3A_297 = tpu.memref_slice %arg5[%dma_wait3A_296] : memref<1048576xf32, #tpu.memory_space<hbm>> -> memref<2048xf32, #tpu.memory_space<hbm>>
        %dma_wait3A_298 = arith.constant 0 : i32
        %dma_wait3A_299 = tpu.memref_slice %arg9[%select_n3A_208, %dma_wait3A_298] : memref<2x2048xf32, #tpu.memory_space<vmem>> -> memref<1x2048xf32, #tpu.memory_space<vmem>>
        %dma_wait3A_300 = tpu.memref_squeeze %dma_wait3A_299 : memref<1x2048xf32, #tpu.memory_space<vmem>> -> memref<2048xf32, #tpu.memory_space<vmem>>
        tpu.wait_dma2 semaphore(%dma_wait3A_295 : memref<!tpu.dma_semaphore, #tpu.memory_space<semaphore_mem>>) src(%dma_wait3A_300 : memref<2048xf32, #tpu.memory_space<vmem>>) dst(%dma_wait3A_297 : memref<2048xf32, #tpu.memory_space<hbm>>)
      } else {
      }
      %mul3A_269 = arith.constant 512 : i32
      %mul3A_270 = arith.muli %select_n3A_224, %mul3A_269 : i32
      %scan3A_271 = arith.constant 0 : i32
      %scan3A_272 = arith.constant 0 : i32
      %scan3A_273 = arith.constant 8 : i32
      %scan3A_274 = arith.addi %scan3A_272, %scan3A_273 : i32
      %scan3A_275 = arith.constant 1 : i32
      scf.for %scan3A_289 = %scan3A_272 to %scan3A_274 step %scan3A_275  : i32 {
        %mul3A_290 = arith.constant 200 : i32
        %mul3A_291 = arith.muli %scan3A_289, %mul3A_290 : i32
        %broadcast_in_dim3A_292 = arith.constant 0.000000e+00 : f32
        %broadcast_in_dim3A_293 = vector.broadcast %broadcast_in_dim3A_292 : f32 to vector<16xf32>
        %scan3A_294 = arith.constant 0 : i32
        %scan3A_295 = arith.constant 12 : i32
        %scan3A_296 = arith.addi %scan3A_294, %scan3A_295 : i32
        %scan3A_297 = arith.constant 1 : i32
        %scan3A_298:4 = scf.for %scan3A_663 = %scan3A_294 to %scan3A_296 step %scan3A_297 iter_args(%scan3A_664 = %broadcast_in_dim3A_293, %scan3A_665 = %broadcast_in_dim3A_293, %scan3A_666 = %broadcast_in_dim3A_293, %scan3A_667 = %broadcast_in_dim3A_293) -> (vector<16xf32>, vector<16xf32>, vector<16xf32>, vector<16xf32>)  : i32 {
          %mul3A_668 = arith.constant 16 : i32
          %mul3A_669 = arith.muli %scan3A_663, %mul3A_668 : i32
          %add3A_670 = arith.addi %mul3A_291, %mul3A_669 : i32
          %get3A_671 = arith.index_cast %select_n3A_171 : i32 to index
          %get3A_672 = arith.index_cast %add3A_670 : i32 to index
          %get3A_673 = tpu.vector_load %arg7[%get3A_671, %get3A_672] {strides = array<i32>} : memref<2x1600xf32, #tpu.memory_space<vmem>>, vector<1x16xf32>,
          %get3A_674 = vector.shape_cast %get3A_673 : vector<1x16xf32> to vector<16xf32>
          %lt3A_675 = arith.constant 0 : i32
          %lt3A_676 = vector.broadcast %lt3A_675 : i32 to vector<16xi32>
          %lt3A_677 = arith.cmpi slt, %broadcast_in_dim3A_7, %lt3A_676 : vector<16xi32>
          %add3A_678 = arith.constant 16 : i32
          %add3A_679 = vector.broadcast %add3A_678 : i32 to vector<16xi32>
          %add3A_680 = arith.addi %broadcast_in_dim3A_7, %add3A_679 : vector<16xi32>
          %select_n3A_681 = arith.select %lt3A_677, %add3A_680, %broadcast_in_dim3A_7 : vector<16xi1>, vector<16xi32>
          %broadcast_in_dim3A_682 = vector.shape_cast %select_n3A_681 : vector<16xi32> to vector<16x1xi32>
          %gather3A_683 = vector.shape_cast %broadcast_in_dim3A_682 : vector<16x1xi32> to vector<16xi32>
          %gather3A_684 = tpu.dynamic_gather %get3A_674[%gather3A_683] in [0] : vector<16xf32>, vector<16xi32> -> vector<16xf32>
          %mul3A_685 = arith.constant 16 : i32
          %mul3A_686 = arith.muli %scan3A_663, %mul3A_685 : i32
          %add3A_687 = arith.addi %mul3A_291, %mul3A_686 : i32
          %add3A_688 = arith.constant 0 : i32
          %add3A_689 = arith.addi %add3A_687, %add3A_688 : i32
          %get3A_690 = arith.index_cast %select_n3A_171 : i32 to index
          %get3A_691 = arith.index_cast %add3A_689 : i32 to index
          %get3A_692 = arith.constant 0 : index
          %get3A_693 = tpu.vector_load %arg8[%get3A_690, %get3A_691, %get3A_692] {strides = array<i32>} : memref<2x1600x32xi32, #tpu.memory_space<vmem>>, vector<1x1x16xi32>,
          %get3A_694 = vector.shape_cast %get3A_693 : vector<1x1x16xi32> to vector<16xi32>
          %shift_left3A_695 = arith.shli %get3A_694, %broadcast_in_dim3A_5 : vector<16xi32>
          %bitcast_convert_type3A_696 = tpu.bitcast %shift_left3A_695 : vector<16xi32> -> vector<16xf32>
          %bitcast_convert_type3A_697 = tpu.bitcast %get3A_694 : vector<16xi32> -> vector<16xf32>
          %mul3A_698 = arith.mulf %gather3A_684, %bitcast_convert_type3A_696 : vector<16xf32>
          %add3A_699 = arith.addf %scan3A_664, %mul3A_698 : vector<16xf32>
          %mul3A_700 = arith.mulf %gather3A_684, %bitcast_convert_type3A_697 : vector<16xf32>
          %add3A_701 = arith.addf %scan3A_665, %mul3A_700 : vector<16xf32>
          %get3A_702 = arith.index_cast %select_n3A_171 : i32 to index
          %get3A_703 = arith.index_cast %add3A_689 : i32 to index
          %get3A_704 = arith.constant 16 : index
          %get3A_705 = tpu.vector_load %arg8[%get3A_702, %get3A_703, %get3A_704] {strides = array<i32>} : memref<2x1600x32xi32, #tpu.memory_space<vmem>>, vector<1x1x16xi32>,
          %get3A_706 = vector.shape_cast %get3A_705 : vector<1x1x16xi32> to vector<16xi32>
          %shift_left3A_707 = arith.shli %get3A_706, %broadcast_in_dim3A_5 : vector<16xi32>
          %bitcast_convert_type3A_708 = tpu.bitcast %shift_left3A_707 : vector<16xi32> -> vector<16xf32>
          %bitcast_convert_type3A_709 = tpu.bitcast %get3A_706 : vector<16xi32> -> vector<16xf32>
          %mul3A_710 = arith.mulf %gather3A_684, %bitcast_convert_type3A_708 : vector<16xf32>
          %add3A_711 = arith.addf %scan3A_666, %mul3A_710 : vector<16xf32>
          %mul3A_712 = arith.mulf %gather3A_684, %bitcast_convert_type3A_709 : vector<16xf32>
          %add3A_713 = arith.addf %scan3A_667, %mul3A_712 : vector<16xf32>
          %lt3A_714 = arith.constant 0 : i32
          %lt3A_715 = vector.broadcast %lt3A_714 : i32 to vector<16xi32>
          %lt3A_716 = arith.cmpi slt, %broadcast_in_dim3A_9, %lt3A_715 : vector<16xi32>
          %add3A_717 = arith.constant 16 : i32
          %add3A_718 = vector.broadcast %add3A_717 : i32 to vector<16xi32>
          %add3A_719 = arith.addi %broadcast_in_dim3A_9, %add3A_718 : vector<16xi32>
          %select_n3A_720 = arith.select %lt3A_716, %add3A_719, %broadcast_in_dim3A_9 : vector<16xi1>, vector<16xi32>
          %broadcast_in_dim3A_721 = vector.shape_cast %select_n3A_720 : vector<16xi32> to vector<16x1xi32>
          %gather3A_722 = vector.shape_cast %broadcast_in_dim3A_721 : vector<16x1xi32> to vector<16xi32>
          %gather3A_723 = tpu.dynamic_gather %get3A_674[%gather3A_722] in [0] : vector<16xf32>, vector<16xi32> -> vector<16xf32>
          %mul3A_724 = arith.constant 16 : i32
          %mul3A_725 = arith.muli %scan3A_663, %mul3A_724 : i32
          %add3A_726 = arith.addi %mul3A_291, %mul3A_725 : i32
          %add3A_727 = arith.constant 1 : i32
          %add3A_728 = arith.addi %add3A_726, %add3A_727 : i32
          %get3A_729 = arith.index_cast %select_n3A_171 : i32 to index
          %get3A_730 = arith.index_cast %add3A_728 : i32 to index
          %get3A_731 = arith.constant 0 : index
          %get3A_732 = tpu.vector_load %arg8[%get3A_729, %get3A_730, %get3A_731] {strides = array<i32>} : memref<2x1600x32xi32, #tpu.memory_space<vmem>>, vector<1x1x16xi32>,
          %get3A_733 = vector.shape_cast %get3A_732 : vector<1x1x16xi32> to vector<16xi32>
          %shift_left3A_734 = arith.shli %get3A_733, %broadcast_in_dim3A_5 : vector<16xi32>
          %bitcast_convert_type3A_735 = tpu.bitcast %shift_left3A_734 : vector<16xi32> -> vector<16xf32>
          %bitcast_convert_type3A_736 = tpu.bitcast %get3A_733 : vector<16xi32> -> vector<16xf32>
          %mul3A_737 = arith.mulf %gather3A_723, %bitcast_convert_type3A_735 : vector<16xf32>
          %add3A_738 = arith.addf %add3A_699, %mul3A_737 : vector<16xf32>
          %mul3A_739 = arith.mulf %gather3A_723, %bitcast_convert_type3A_736 : vector<16xf32>
          %add3A_740 = arith.addf %add3A_701, %mul3A_739 : vector<16xf32>
          %get3A_741 = arith.index_cast %select_n3A_171 : i32 to index
          %get3A_742 = arith.index_cast %add3A_728 : i32 to index
          %get3A_743 = arith.constant 16 : index
          %get3A_744 = tpu.vector_load %arg8[%get3A_741, %get3A_742, %get3A_743] {strides = array<i32>} : memref<2x1600x32xi32, #tpu.memory_space<vmem>>, vector<1x1x16xi32>,
          %get3A_745 = vector.shape_cast %get3A_744 : vector<1x1x16xi32> to vector<16xi32>
          %shift_left3A_746 = arith.shli %get3A_745, %broadcast_in_dim3A_5 : vector<16xi32>
          %bitcast_convert_type3A_747 = tpu.bitcast %shift_left3A_746 : vector<16xi32> -> vector<16xf32>
          %bitcast_convert_type3A_748 = tpu.bitcast %get3A_745 : vector<16xi32> -> vector<16xf32>
          %mul3A_749 = arith.mulf %gather3A_723, %bitcast_convert_type3A_747 : vector<16xf32>
          %add3A_750 = arith.addf %add3A_711, %mul3A_749 : vector<16xf32>
          %mul3A_751 = arith.mulf %gather3A_723, %bitcast_convert_type3A_748 : vector<16xf32>
          %add3A_752 = arith.addf %add3A_713, %mul3A_751 : vector<16xf32>
          %lt3A_753 = arith.constant 0 : i32
          %lt3A_754 = vector.broadcast %lt3A_753 : i32 to vector<16xi32>
          %lt3A_755 = arith.cmpi slt, %broadcast_in_dim3A_11, %lt3A_754 : vector<16xi32>
          %add3A_756 = arith.constant 16 : i32
          %add3A_757 = vector.broadcast %add3A_756 : i32 to vector<16xi32>
          %add3A_758 = arith.addi %broadcast_in_dim3A_11, %add3A_757 : vector<16xi32>
          %select_n3A_759 = arith.select %lt3A_755, %add3A_758, %broadcast_in_dim3A_11 : vector<16xi1>, vector<16xi32>
          %broadcast_in_dim3A_760 = vector.shape_cast %select_n3A_759 : vector<16xi32> to vector<16x1xi32>
          %gather3A_761 = vector.shape_cast %broadcast_in_dim3A_760 : vector<16x1xi32> to vector<16xi32>
          %gather3A_762 = tpu.dynamic_gather %get3A_674[%gather3A_761] in [0] : vector<16xf32>, vector<16xi32> -> vector<16xf32>
          %mul3A_763 = arith.constant 16 : i32
          %mul3A_764 = arith.muli %scan3A_663, %mul3A_763 : i32
          %add3A_765 = arith.addi %mul3A_291, %mul3A_764 : i32
          %add3A_766 = arith.constant 2 : i32
          %add3A_767 = arith.addi %add3A_765, %add3A_766 : i32
          %get3A_768 = arith.index_cast %select_n3A_171 : i32 to index
          %get3A_769 = arith.index_cast %add3A_767 : i32 to index
          %get3A_770 = arith.constant 0 : index
          %get3A_771 = tpu.vector_load %arg8[%get3A_768, %get3A_769, %get3A_770] {strides = array<i32>} : memref<2x1600x32xi32, #tpu.memory_space<vmem>>, vector<1x1x16xi32>,
          %get3A_772 = vector.shape_cast %get3A_771 : vector<1x1x16xi32> to vector<16xi32>
          %shift_left3A_773 = arith.shli %get3A_772, %broadcast_in_dim3A_5 : vector<16xi32>
          %bitcast_convert_type3A_774 = tpu.bitcast %shift_left3A_773 : vector<16xi32> -> vector<16xf32>
          %bitcast_convert_type3A_775 = tpu.bitcast %get3A_772 : vector<16xi32> -> vector<16xf32>
          %mul3A_776 = arith.mulf %gather3A_762, %bitcast_convert_type3A_774 : vector<16xf32>
          %add3A_777 = arith.addf %add3A_738, %mul3A_776 : vector<16xf32>
          %mul3A_778 = arith.mulf %gather3A_762, %bitcast_convert_type3A_775 : vector<16xf32>
          %add3A_779 = arith.addf %add3A_740, %mul3A_778 : vector<16xf32>
          %get3A_780 = arith.index_cast %select_n3A_171 : i32 to index
          %get3A_781 = arith.index_cast %add3A_767 : i32 to index
          %get3A_782 = arith.constant 16 : index
          %get3A_783 = tpu.vector_load %arg8[%get3A_780, %get3A_781, %get3A_782] {strides = array<i32>} : memref<2x1600x32xi32, #tpu.memory_space<vmem>>, vector<1x1x16xi32>,
          %get3A_784 = vector.shape_cast %get3A_783 : vector<1x1x16xi32> to vector<16xi32>
          %shift_left3A_785 = arith.shli %get3A_784, %broadcast_in_dim3A_5 : vector<16xi32>
          %bitcast_convert_type3A_786 = tpu.bitcast %shift_left3A_785 : vector<16xi32> -> vector<16xf32>
          %bitcast_convert_type3A_787 = tpu.bitcast %get3A_784 : vector<16xi32> -> vector<16xf32>
          %mul3A_788 = arith.mulf %gather3A_762, %bitcast_convert_type3A_786 : vector<16xf32>
          %add3A_789 = arith.addf %add3A_750, %mul3A_788 : vector<16xf32>
          %mul3A_790 = arith.mulf %gather3A_762, %bitcast_convert_type3A_787 : vector<16xf32>
          %add3A_791 = arith.addf %add3A_752, %mul3A_790 : vector<16xf32>
          %lt3A_792 = arith.constant 0 : i32
          %lt3A_793 = vector.broadcast %lt3A_792 : i32 to vector<16xi32>
          %lt3A_794 = arith.cmpi slt, %broadcast_in_dim3A_13, %lt3A_793 : vector<16xi32>
          %add3A_795 = arith.constant 16 : i32
          %add3A_796 = vector.broadcast %add3A_795 : i32 to vector<16xi32>
          %add3A_797 = arith.addi %broadcast_in_dim3A_13, %add3A_796 : vector<16xi32>
          %select_n3A_798 = arith.select %lt3A_794, %add3A_797, %broadcast_in_dim3A_13 : vector<16xi1>, vector<16xi32>
          %broadcast_in_dim3A_799 = vector.shape_cast %select_n3A_798 : vector<16xi32> to vector<16x1xi32>
          %gather3A_800 = vector.shape_cast %broadcast_in_dim3A_799 : vector<16x1xi32> to vector<16xi32>
          %gather3A_801 = tpu.dynamic_gather %get3A_674[%gather3A_800] in [0] : vector<16xf32>, vector<16xi32> -> vector<16xf32>
          %mul3A_802 = arith.constant 16 : i32
          %mul3A_803 = arith.muli %scan3A_663, %mul3A_802 : i32
          %add3A_804 = arith.addi %mul3A_291, %mul3A_803 : i32
          %add3A_805 = arith.constant 3 : i32
          %add3A_806 = arith.addi %add3A_804, %add3A_805 : i32
          %get3A_807 = arith.index_cast %select_n3A_171 : i32 to index
          %get3A_808 = arith.index_cast %add3A_806 : i32 to index
          %get3A_809 = arith.constant 0 : index
          %get3A_810 = tpu.vector_load %arg8[%get3A_807, %get3A_808, %get3A_809] {strides = array<i32>} : memref<2x1600x32xi32, #tpu.memory_space<vmem>>, vector<1x1x16xi32>,
          %get3A_811 = vector.shape_cast %get3A_810 : vector<1x1x16xi32> to vector<16xi32>
          %shift_left3A_812 = arith.shli %get3A_811, %broadcast_in_dim3A_5 : vector<16xi32>
          %bitcast_convert_type3A_813 = tpu.bitcast %shift_left3A_812 : vector<16xi32> -> vector<16xf32>
          %bitcast_convert_type3A_814 = tpu.bitcast %get3A_811 : vector<16xi32> -> vector<16xf32>
          %mul3A_815 = arith.mulf %gather3A_801, %bitcast_convert_type3A_813 : vector<16xf32>
          %add3A_816 = arith.addf %add3A_777, %mul3A_815 : vector<16xf32>
          %mul3A_817 = arith.mulf %gather3A_801, %bitcast_convert_type3A_814 : vector<16xf32>
          %add3A_818 = arith.addf %add3A_779, %mul3A_817 : vector<16xf32>
          %get3A_819 = arith.index_cast %select_n3A_171 : i32 to index
          %get3A_820 = arith.index_cast %add3A_806 : i32 to index
          %get3A_821 = arith.constant 16 : index
          %get3A_822 = tpu.vector_load %arg8[%get3A_819, %get3A_820, %get3A_821] {strides = array<i32>} : memref<2x1600x32xi32, #tpu.memory_space<vmem>>, vector<1x1x16xi32>,
          %get3A_823 = vector.shape_cast %get3A_822 : vector<1x1x16xi32> to vector<16xi32>
          %shift_left3A_824 = arith.shli %get3A_823, %broadcast_in_dim3A_5 : vector<16xi32>
          %bitcast_convert_type3A_825 = tpu.bitcast %shift_left3A_824 : vector<16xi32> -> vector<16xf32>
          %bitcast_convert_type3A_826 = tpu.bitcast %get3A_823 : vector<16xi32> -> vector<16xf32>
          %mul3A_827 = arith.mulf %gather3A_801, %bitcast_convert_type3A_825 : vector<16xf32>
          %add3A_828 = arith.addf %add3A_789, %mul3A_827 : vector<16xf32>
          %mul3A_829 = arith.mulf %gather3A_801, %bitcast_convert_type3A_826 : vector<16xf32>
          %add3A_830 = arith.addf %add3A_791, %mul3A_829 : vector<16xf32>
          %lt3A_831 = arith.constant 0 : i32
          %lt3A_832 = vector.broadcast %lt3A_831 : i32 to vector<16xi32>
          %lt3A_833 = arith.cmpi slt, %broadcast_in_dim3A_15, %lt3A_832 : vector<16xi32>
          %add3A_834 = arith.constant 16 : i32
          %add3A_835 = vector.broadcast %add3A_834 : i32 to vector<16xi32>
          %add3A_836 = arith.addi %broadcast_in_dim3A_15, %add3A_835 : vector<16xi32>
          %select_n3A_837 = arith.select %lt3A_833, %add3A_836, %broadcast_in_dim3A_15 : vector<16xi1>, vector<16xi32>
          %broadcast_in_dim3A_838 = vector.shape_cast %select_n3A_837 : vector<16xi32> to vector<16x1xi32>
          %gather3A_839 = vector.shape_cast %broadcast_in_dim3A_838 : vector<16x1xi32> to vector<16xi32>
          %gather3A_840 = tpu.dynamic_gather %get3A_674[%gather3A_839] in [0] : vector<16xf32>, vector<16xi32> -> vector<16xf32>
          %mul3A_841 = arith.constant 16 : i32
          %mul3A_842 = arith.muli %scan3A_663, %mul3A_841 : i32
          %add3A_843 = arith.addi %mul3A_291, %mul3A_842 : i32
          %add3A_844 = arith.constant 4 : i32
          %add3A_845 = arith.addi %add3A_843, %add3A_844 : i32
          %get3A_846 = arith.index_cast %select_n3A_171 : i32 to index
          %get3A_847 = arith.index_cast %add3A_845 : i32 to index
          %get3A_848 = arith.constant 0 : index
          %get3A_849 = tpu.vector_load %arg8[%get3A_846, %get3A_847, %get3A_848] {strides = array<i32>} : memref<2x1600x32xi32, #tpu.memory_space<vmem>>, vector<1x1x16xi32>,
          %get3A_850 = vector.shape_cast %get3A_849 : vector<1x1x16xi32> to vector<16xi32>
          %shift_left3A_851 = arith.shli %get3A_850, %broadcast_in_dim3A_5 : vector<16xi32>
          %bitcast_convert_type3A_852 = tpu.bitcast %shift_left3A_851 : vector<16xi32> -> vector<16xf32>
          %bitcast_convert_type3A_853 = tpu.bitcast %get3A_850 : vector<16xi32> -> vector<16xf32>
          %mul3A_854 = arith.mulf %gather3A_840, %bitcast_convert_type3A_852 : vector<16xf32>
          %add3A_855 = arith.addf %add3A_816, %mul3A_854 : vector<16xf32>
          %mul3A_856 = arith.mulf %gather3A_840, %bitcast_convert_type3A_853 : vector<16xf32>
          %add3A_857 = arith.addf %add3A_818, %mul3A_856 : vector<16xf32>
          %get3A_858 = arith.index_cast %select_n3A_171 : i32 to index
          %get3A_859 = arith.index_cast %add3A_845 : i32 to index
          %get3A_860 = arith.constant 16 : index
          %get3A_861 = tpu.vector_load %arg8[%get3A_858, %get3A_859, %get3A_860] {strides = array<i32>} : memref<2x1600x32xi32, #tpu.memory_space<vmem>>, vector<1x1x16xi32>,
          %get3A_862 = vector.shape_cast %get3A_861 : vector<1x1x16xi32> to vector<16xi32>
          %shift_left3A_863 = arith.shli %get3A_862, %broadcast_in_dim3A_5 : vector<16xi32>
          %bitcast_convert_type3A_864 = tpu.bitcast %shift_left3A_863 : vector<16xi32> -> vector<16xf32>
          %bitcast_convert_type3A_865 = tpu.bitcast %get3A_862 : vector<16xi32> -> vector<16xf32>
          %mul3A_866 = arith.mulf %gather3A_840, %bitcast_convert_type3A_864 : vector<16xf32>
          %add3A_867 = arith.addf %add3A_828, %mul3A_866 : vector<16xf32>
          %mul3A_868 = arith.mulf %gather3A_840, %bitcast_convert_type3A_865 : vector<16xf32>
          %add3A_869 = arith.addf %add3A_830, %mul3A_868 : vector<16xf32>
          %lt3A_870 = arith.constant 0 : i32
          %lt3A_871 = vector.broadcast %lt3A_870 : i32 to vector<16xi32>
          %lt3A_872 = arith.cmpi slt, %broadcast_in_dim3A_17, %lt3A_871 : vector<16xi32>
          %add3A_873 = arith.constant 16 : i32
          %add3A_874 = vector.broadcast %add3A_873 : i32 to vector<16xi32>
          %add3A_875 = arith.addi %broadcast_in_dim3A_17, %add3A_874 : vector<16xi32>
          %select_n3A_876 = arith.select %lt3A_872, %add3A_875, %broadcast_in_dim3A_17 : vector<16xi1>, vector<16xi32>
          %broadcast_in_dim3A_877 = vector.shape_cast %select_n3A_876 : vector<16xi32> to vector<16x1xi32>
          %gather3A_878 = vector.shape_cast %broadcast_in_dim3A_877 : vector<16x1xi32> to vector<16xi32>
          %gather3A_879 = tpu.dynamic_gather %get3A_674[%gather3A_878] in [0] : vector<16xf32>, vector<16xi32> -> vector<16xf32>
          %mul3A_880 = arith.constant 16 : i32
          %mul3A_881 = arith.muli %scan3A_663, %mul3A_880 : i32
          %add3A_882 = arith.addi %mul3A_291, %mul3A_881 : i32
          %add3A_883 = arith.constant 5 : i32
          %add3A_884 = arith.addi %add3A_882, %add3A_883 : i32
          %get3A_885 = arith.index_cast %select_n3A_171 : i32 to index
          %get3A_886 = arith.index_cast %add3A_884 : i32 to index
          %get3A_887 = arith.constant 0 : index
          %get3A_888 = tpu.vector_load %arg8[%get3A_885, %get3A_886, %get3A_887] {strides = array<i32>} : memref<2x1600x32xi32, #tpu.memory_space<vmem>>, vector<1x1x16xi32>,
          %get3A_889 = vector.shape_cast %get3A_888 : vector<1x1x16xi32> to vector<16xi32>
          %shift_left3A_890 = arith.shli %get3A_889, %broadcast_in_dim3A_5 : vector<16xi32>
          %bitcast_convert_type3A_891 = tpu.bitcast %shift_left3A_890 : vector<16xi32> -> vector<16xf32>
          %bitcast_convert_type3A_892 = tpu.bitcast %get3A_889 : vector<16xi32> -> vector<16xf32>
          %mul3A_893 = arith.mulf %gather3A_879, %bitcast_convert_type3A_891 : vector<16xf32>
          %add3A_894 = arith.addf %add3A_855, %mul3A_893 : vector<16xf32>
          %mul3A_895 = arith.mulf %gather3A_879, %bitcast_convert_type3A_892 : vector<16xf32>
          %add3A_896 = arith.addf %add3A_857, %mul3A_895 : vector<16xf32>
          %get3A_897 = arith.index_cast %select_n3A_171 : i32 to index
          %get3A_898 = arith.index_cast %add3A_884 : i32 to index
          %get3A_899 = arith.constant 16 : index
          %get3A_900 = tpu.vector_load %arg8[%get3A_897, %get3A_898, %get3A_899] {strides = array<i32>} : memref<2x1600x32xi32, #tpu.memory_space<vmem>>, vector<1x1x16xi32>,
          %get3A_901 = vector.shape_cast %get3A_900 : vector<1x1x16xi32> to vector<16xi32>
          %shift_left3A_902 = arith.shli %get3A_901, %broadcast_in_dim3A_5 : vector<16xi32>
          %bitcast_convert_type3A_903 = tpu.bitcast %shift_left3A_902 : vector<16xi32> -> vector<16xf32>
          %bitcast_convert_type3A_904 = tpu.bitcast %get3A_901 : vector<16xi32> -> vector<16xf32>
          %mul3A_905 = arith.mulf %gather3A_879, %bitcast_convert_type3A_903 : vector<16xf32>
          %add3A_906 = arith.addf %add3A_867, %mul3A_905 : vector<16xf32>
          %mul3A_907 = arith.mulf %gather3A_879, %bitcast_convert_type3A_904 : vector<16xf32>
          %add3A_908 = arith.addf %add3A_869, %mul3A_907 : vector<16xf32>
          %lt3A_909 = arith.constant 0 : i32
          %lt3A_910 = vector.broadcast %lt3A_909 : i32 to vector<16xi32>
          %lt3A_911 = arith.cmpi slt, %broadcast_in_dim3A_19, %lt3A_910 : vector<16xi32>
          %add3A_912 = arith.constant 16 : i32
          %add3A_913 = vector.broadcast %add3A_912 : i32 to vector<16xi32>
          %add3A_914 = arith.addi %broadcast_in_dim3A_19, %add3A_913 : vector<16xi32>
          %select_n3A_915 = arith.select %lt3A_911, %add3A_914, %broadcast_in_dim3A_19 : vector<16xi1>, vector<16xi32>
          %broadcast_in_dim3A_916 = vector.shape_cast %select_n3A_915 : vector<16xi32> to vector<16x1xi32>
          %gather3A_917 = vector.shape_cast %broadcast_in_dim3A_916 : vector<16x1xi32> to vector<16xi32>
          %gather3A_918 = tpu.dynamic_gather %get3A_674[%gather3A_917] in [0] : vector<16xf32>, vector<16xi32> -> vector<16xf32>
          %mul3A_919 = arith.constant 16 : i32
          %mul3A_920 = arith.muli %scan3A_663, %mul3A_919 : i32
          %add3A_921 = arith.addi %mul3A_291, %mul3A_920 : i32
          %add3A_922 = arith.constant 6 : i32
          %add3A_923 = arith.addi %add3A_921, %add3A_922 : i32
          %get3A_924 = arith.index_cast %select_n3A_171 : i32 to index
          %get3A_925 = arith.index_cast %add3A_923 : i32 to index
          %get3A_926 = arith.constant 0 : index
          %get3A_927 = tpu.vector_load %arg8[%get3A_924, %get3A_925, %get3A_926] {strides = array<i32>} : memref<2x1600x32xi32, #tpu.memory_space<vmem>>, vector<1x1x16xi32>,
          %get3A_928 = vector.shape_cast %get3A_927 : vector<1x1x16xi32> to vector<16xi32>
          %shift_left3A_929 = arith.shli %get3A_928, %broadcast_in_dim3A_5 : vector<16xi32>
          %bitcast_convert_type3A_930 = tpu.bitcast %shift_left3A_929 : vector<16xi32> -> vector<16xf32>
          %bitcast_convert_type3A_931 = tpu.bitcast %get3A_928 : vector<16xi32> -> vector<16xf32>
          %mul3A_932 = arith.mulf %gather3A_918, %bitcast_convert_type3A_930 : vector<16xf32>
          %add3A_933 = arith.addf %add3A_894, %mul3A_932 : vector<16xf32>
          %mul3A_934 = arith.mulf %gather3A_918, %bitcast_convert_type3A_931 : vector<16xf32>
          %add3A_935 = arith.addf %add3A_896, %mul3A_934 : vector<16xf32>
          %get3A_936 = arith.index_cast %select_n3A_171 : i32 to index
          %get3A_937 = arith.index_cast %add3A_923 : i32 to index
          %get3A_938 = arith.constant 16 : index
          %get3A_939 = tpu.vector_load %arg8[%get3A_936, %get3A_937, %get3A_938] {strides = array<i32>} : memref<2x1600x32xi32, #tpu.memory_space<vmem>>, vector<1x1x16xi32>,
          %get3A_940 = vector.shape_cast %get3A_939 : vector<1x1x16xi32> to vector<16xi32>
          %shift_left3A_941 = arith.shli %get3A_940, %broadcast_in_dim3A_5 : vector<16xi32>
          %bitcast_convert_type3A_942 = tpu.bitcast %shift_left3A_941 : vector<16xi32> -> vector<16xf32>
          %bitcast_convert_type3A_943 = tpu.bitcast %get3A_940 : vector<16xi32> -> vector<16xf32>
          %mul3A_944 = arith.mulf %gather3A_918, %bitcast_convert_type3A_942 : vector<16xf32>
          %add3A_945 = arith.addf %add3A_906, %mul3A_944 : vector<16xf32>
          %mul3A_946 = arith.mulf %gather3A_918, %bitcast_convert_type3A_943 : vector<16xf32>
          %add3A_947 = arith.addf %add3A_908, %mul3A_946 : vector<16xf32>
          %lt3A_948 = arith.constant 0 : i32
          %lt3A_949 = vector.broadcast %lt3A_948 : i32 to vector<16xi32>
          %lt3A_950 = arith.cmpi slt, %broadcast_in_dim3A_21, %lt3A_949 : vector<16xi32>
          %add3A_951 = arith.constant 16 : i32
          %add3A_952 = vector.broadcast %add3A_951 : i32 to vector<16xi32>
          %add3A_953 = arith.addi %broadcast_in_dim3A_21, %add3A_952 : vector<16xi32>
          %select_n3A_954 = arith.select %lt3A_950, %add3A_953, %broadcast_in_dim3A_21 : vector<16xi1>, vector<16xi32>
          %broadcast_in_dim3A_955 = vector.shape_cast %select_n3A_954 : vector<16xi32> to vector<16x1xi32>
          %gather3A_956 = vector.shape_cast %broadcast_in_dim3A_955 : vector<16x1xi32> to vector<16xi32>
          %gather3A_957 = tpu.dynamic_gather %get3A_674[%gather3A_956] in [0] : vector<16xf32>, vector<16xi32> -> vector<16xf32>
          %mul3A_958 = arith.constant 16 : i32
          %mul3A_959 = arith.muli %scan3A_663, %mul3A_958 : i32
          %add3A_960 = arith.addi %mul3A_291, %mul3A_959 : i32
          %add3A_961 = arith.constant 7 : i32
          %add3A_962 = arith.addi %add3A_960, %add3A_961 : i32
          %get3A_963 = arith.index_cast %select_n3A_171 : i32 to index
          %get3A_964 = arith.index_cast %add3A_962 : i32 to index
          %get3A_965 = arith.constant 0 : index
          %get3A_966 = tpu.vector_load %arg8[%get3A_963, %get3A_964, %get3A_965] {strides = array<i32>} : memref<2x1600x32xi32, #tpu.memory_space<vmem>>, vector<1x1x16xi32>,
          %get3A_967 = vector.shape_cast %get3A_966 : vector<1x1x16xi32> to vector<16xi32>
          %shift_left3A_968 = arith.shli %get3A_967, %broadcast_in_dim3A_5 : vector<16xi32>
          %bitcast_convert_type3A_969 = tpu.bitcast %shift_left3A_968 : vector<16xi32> -> vector<16xf32>
          %bitcast_convert_type3A_970 = tpu.bitcast %get3A_967 : vector<16xi32> -> vector<16xf32>
          %mul3A_971 = arith.mulf %gather3A_957, %bitcast_convert_type3A_969 : vector<16xf32>
          %add3A_972 = arith.addf %add3A_933, %mul3A_971 : vector<16xf32>
          %mul3A_973 = arith.mulf %gather3A_957, %bitcast_convert_type3A_970 : vector<16xf32>
          %add3A_974 = arith.addf %add3A_935, %mul3A_973 : vector<16xf32>
          %get3A_975 = arith.index_cast %select_n3A_171 : i32 to index
          %get3A_976 = arith.index_cast %add3A_962 : i32 to index
          %get3A_977 = arith.constant 16 : index
          %get3A_978 = tpu.vector_load %arg8[%get3A_975, %get3A_976, %get3A_977] {strides = array<i32>} : memref<2x1600x32xi32, #tpu.memory_space<vmem>>, vector<1x1x16xi32>,
          %get3A_979 = vector.shape_cast %get3A_978 : vector<1x1x16xi32> to vector<16xi32>
          %shift_left3A_980 = arith.shli %get3A_979, %broadcast_in_dim3A_5 : vector<16xi32>
          %bitcast_convert_type3A_981 = tpu.bitcast %shift_left3A_980 : vector<16xi32> -> vector<16xf32>
          %bitcast_convert_type3A_982 = tpu.bitcast %get3A_979 : vector<16xi32> -> vector<16xf32>
          %mul3A_983 = arith.mulf %gather3A_957, %bitcast_convert_type3A_981 : vector<16xf32>
          %add3A_984 = arith.addf %add3A_945, %mul3A_983 : vector<16xf32>
          %mul3A_985 = arith.mulf %gather3A_957, %bitcast_convert_type3A_982 : vector<16xf32>
          %add3A_986 = arith.addf %add3A_947, %mul3A_985 : vector<16xf32>
          %lt3A_987 = arith.constant 0 : i32
          %lt3A_988 = vector.broadcast %lt3A_987 : i32 to vector<16xi32>
          %lt3A_989 = arith.cmpi slt, %broadcast_in_dim3A_23, %lt3A_988 : vector<16xi32>
          %add3A_990 = arith.constant 16 : i32
          %add3A_991 = vector.broadcast %add3A_990 : i32 to vector<16xi32>
          %add3A_992 = arith.addi %broadcast_in_dim3A_23, %add3A_991 : vector<16xi32>
          %select_n3A_993 = arith.select %lt3A_989, %add3A_992, %broadcast_in_dim3A_23 : vector<16xi1>, vector<16xi32>
          %broadcast_in_dim3A_994 = vector.shape_cast %select_n3A_993 : vector<16xi32> to vector<16x1xi32>
          %gather3A_995 = vector.shape_cast %broadcast_in_dim3A_994 : vector<16x1xi32> to vector<16xi32>
          %gather3A_996 = tpu.dynamic_gather %get3A_674[%gather3A_995] in [0] : vector<16xf32>, vector<16xi32> -> vector<16xf32>
          %mul3A_997 = arith.constant 16 : i32
          %mul3A_998 = arith.muli %scan3A_663, %mul3A_997 : i32
          %add3A_999 = arith.addi %mul3A_291, %mul3A_998 : i32
          %add3A_1000 = arith.constant 8 : i32
          %add3A_1001 = arith.addi %add3A_999, %add3A_1000 : i32
          %get3A_1002 = arith.index_cast %select_n3A_171 : i32 to index
          %get3A_1003 = arith.index_cast %add3A_1001 : i32 to index
          %get3A_1004 = arith.constant 0 : index
          %get3A_1005 = tpu.vector_load %arg8[%get3A_1002, %get3A_1003, %get3A_1004] {strides = array<i32>} : memref<2x1600x32xi32, #tpu.memory_space<vmem>>, vector<1x1x16xi32>,
          %get3A_1006 = vector.shape_cast %get3A_1005 : vector<1x1x16xi32> to vector<16xi32>
          %shift_left3A_1007 = arith.shli %get3A_1006, %broadcast_in_dim3A_5 : vector<16xi32>
          %bitcast_convert_type3A_1008 = tpu.bitcast %shift_left3A_1007 : vector<16xi32> -> vector<16xf32>
          %bitcast_convert_type3A_1009 = tpu.bitcast %get3A_1006 : vector<16xi32> -> vector<16xf32>
          %mul3A_1010 = arith.mulf %gather3A_996, %bitcast_convert_type3A_1008 : vector<16xf32>
          %add3A_1011 = arith.addf %add3A_972, %mul3A_1010 : vector<16xf32>
          %mul3A_1012 = arith.mulf %gather3A_996, %bitcast_convert_type3A_1009 : vector<16xf32>
          %add3A_1013 = arith.addf %add3A_974, %mul3A_1012 : vector<16xf32>
          %get3A_1014 = arith.index_cast %select_n3A_171 : i32 to index
          %get3A_1015 = arith.index_cast %add3A_1001 : i32 to index
          %get3A_1016 = arith.constant 16 : index
          %get3A_1017 = tpu.vector_load %arg8[%get3A_1014, %get3A_1015, %get3A_1016] {strides = array<i32>} : memref<2x1600x32xi32, #tpu.memory_space<vmem>>, vector<1x1x16xi32>,
          %get3A_1018 = vector.shape_cast %get3A_1017 : vector<1x1x16xi32> to vector<16xi32>
          %shift_left3A_1019 = arith.shli %get3A_1018, %broadcast_in_dim3A_5 : vector<16xi32>
          %bitcast_convert_type3A_1020 = tpu.bitcast %shift_left3A_1019 : vector<16xi32> -> vector<16xf32>
          %bitcast_convert_type3A_1021 = tpu.bitcast %get3A_1018 : vector<16xi32> -> vector<16xf32>
          %mul3A_1022 = arith.mulf %gather3A_996, %bitcast_convert_type3A_1020 : vector<16xf32>
          %add3A_1023 = arith.addf %add3A_984, %mul3A_1022 : vector<16xf32>
          %mul3A_1024 = arith.mulf %gather3A_996, %bitcast_convert_type3A_1021 : vector<16xf32>
          %add3A_1025 = arith.addf %add3A_986, %mul3A_1024 : vector<16xf32>
          %lt3A_1026 = arith.constant 0 : i32
          %lt3A_1027 = vector.broadcast %lt3A_1026 : i32 to vector<16xi32>
          %lt3A_1028 = arith.cmpi slt, %broadcast_in_dim3A_25, %lt3A_1027 : vector<16xi32>
          %add3A_1029 = arith.constant 16 : i32
          %add3A_1030 = vector.broadcast %add3A_1029 : i32 to vector<16xi32>
          %add3A_1031 = arith.addi %broadcast_in_dim3A_25, %add3A_1030 : vector<16xi32>
          %select_n3A_1032 = arith.select %lt3A_1028, %add3A_1031, %broadcast_in_dim3A_25 : vector<16xi1>, vector<16xi32>
          %broadcast_in_dim3A_1033 = vector.shape_cast %select_n3A_1032 : vector<16xi32> to vector<16x1xi32>
          %gather3A_1034 = vector.shape_cast %broadcast_in_dim3A_1033 : vector<16x1xi32> to vector<16xi32>
          %gather3A_1035 = tpu.dynamic_gather %get3A_674[%gather3A_1034] in [0] : vector<16xf32>, vector<16xi32> -> vector<16xf32>
          %mul3A_1036 = arith.constant 16 : i32
          %mul3A_1037 = arith.muli %scan3A_663, %mul3A_1036 : i32
          %add3A_1038 = arith.addi %mul3A_291, %mul3A_1037 : i32
          %add3A_1039 = arith.constant 9 : i32
          %add3A_1040 = arith.addi %add3A_1038, %add3A_1039 : i32
          %get3A_1041 = arith.index_cast %select_n3A_171 : i32 to index
          %get3A_1042 = arith.index_cast %add3A_1040 : i32 to index
          %get3A_1043 = arith.constant 0 : index
          %get3A_1044 = tpu.vector_load %arg8[%get3A_1041, %get3A_1042, %get3A_1043] {strides = array<i32>} : memref<2x1600x32xi32, #tpu.memory_space<vmem>>, vector<1x1x16xi32>,
          %get3A_1045 = vector.shape_cast %get3A_1044 : vector<1x1x16xi32> to vector<16xi32>
          %shift_left3A_1046 = arith.shli %get3A_1045, %broadcast_in_dim3A_5 : vector<16xi32>
          %bitcast_convert_type3A_1047 = tpu.bitcast %shift_left3A_1046 : vector<16xi32> -> vector<16xf32>
          %bitcast_convert_type3A_1048 = tpu.bitcast %get3A_1045 : vector<16xi32> -> vector<16xf32>
          %mul3A_1049 = arith.mulf %gather3A_1035, %bitcast_convert_type3A_1047 : vector<16xf32>
          %add3A_1050 = arith.addf %add3A_1011, %mul3A_1049 : vector<16xf32>
          %mul3A_1051 = arith.mulf %gather3A_1035, %bitcast_convert_type3A_1048 : vector<16xf32>
          %add3A_1052 = arith.addf %add3A_1013, %mul3A_1051 : vector<16xf32>
          %get3A_1053 = arith.index_cast %select_n3A_171 : i32 to index
          %get3A_1054 = arith.index_cast %add3A_1040 : i32 to index
          %get3A_1055 = arith.constant 16 : index
          %get3A_1056 = tpu.vector_load %arg8[%get3A_1053, %get3A_1054, %get3A_1055] {strides = array<i32>} : memref<2x1600x32xi32, #tpu.memory_space<vmem>>, vector<1x1x16xi32>,
          %get3A_1057 = vector.shape_cast %get3A_1056 : vector<1x1x16xi32> to vector<16xi32>
          %shift_left3A_1058 = arith.shli %get3A_1057, %broadcast_in_dim3A_5 : vector<16xi32>
          %bitcast_convert_type3A_1059 = tpu.bitcast %shift_left3A_1058 : vector<16xi32> -> vector<16xf32>
          %bitcast_convert_type3A_1060 = tpu.bitcast %get3A_1057 : vector<16xi32> -> vector<16xf32>
          %mul3A_1061 = arith.mulf %gather3A_1035, %bitcast_convert_type3A_1059 : vector<16xf32>
          %add3A_1062 = arith.addf %add3A_1023, %mul3A_1061 : vector<16xf32>
          %mul3A_1063 = arith.mulf %gather3A_1035, %bitcast_convert_type3A_1060 : vector<16xf32>
          %add3A_1064 = arith.addf %add3A_1025, %mul3A_1063 : vector<16xf32>
          %lt3A_1065 = arith.constant 0 : i32
          %lt3A_1066 = vector.broadcast %lt3A_1065 : i32 to vector<16xi32>
          %lt3A_1067 = arith.cmpi slt, %broadcast_in_dim3A_27, %lt3A_1066 : vector<16xi32>
          %add3A_1068 = arith.constant 16 : i32
          %add3A_1069 = vector.broadcast %add3A_1068 : i32 to vector<16xi32>
          %add3A_1070 = arith.addi %broadcast_in_dim3A_27, %add3A_1069 : vector<16xi32>
          %select_n3A_1071 = arith.select %lt3A_1067, %add3A_1070, %broadcast_in_dim3A_27 : vector<16xi1>, vector<16xi32>
          %broadcast_in_dim3A_1072 = vector.shape_cast %select_n3A_1071 : vector<16xi32> to vector<16x1xi32>
          %gather3A_1073 = vector.shape_cast %broadcast_in_dim3A_1072 : vector<16x1xi32> to vector<16xi32>
          %gather3A_1074 = tpu.dynamic_gather %get3A_674[%gather3A_1073] in [0] : vector<16xf32>, vector<16xi32> -> vector<16xf32>
          %mul3A_1075 = arith.constant 16 : i32
          %mul3A_1076 = arith.muli %scan3A_663, %mul3A_1075 : i32
          %add3A_1077 = arith.addi %mul3A_291, %mul3A_1076 : i32
          %add3A_1078 = arith.constant 10 : i32
          %add3A_1079 = arith.addi %add3A_1077, %add3A_1078 : i32
          %get3A_1080 = arith.index_cast %select_n3A_171 : i32 to index
          %get3A_1081 = arith.index_cast %add3A_1079 : i32 to index
          %get3A_1082 = arith.constant 0 : index
          %get3A_1083 = tpu.vector_load %arg8[%get3A_1080, %get3A_1081, %get3A_1082] {strides = array<i32>} : memref<2x1600x32xi32, #tpu.memory_space<vmem>>, vector<1x1x16xi32>,
          %get3A_1084 = vector.shape_cast %get3A_1083 : vector<1x1x16xi32> to vector<16xi32>
          %shift_left3A_1085 = arith.shli %get3A_1084, %broadcast_in_dim3A_5 : vector<16xi32>
          %bitcast_convert_type3A_1086 = tpu.bitcast %shift_left3A_1085 : vector<16xi32> -> vector<16xf32>
          %bitcast_convert_type3A_1087 = tpu.bitcast %get3A_1084 : vector<16xi32> -> vector<16xf32>
          %mul3A_1088 = arith.mulf %gather3A_1074, %bitcast_convert_type3A_1086 : vector<16xf32>
          %add3A_1089 = arith.addf %add3A_1050, %mul3A_1088 : vector<16xf32>
          %mul3A_1090 = arith.mulf %gather3A_1074, %bitcast_convert_type3A_1087 : vector<16xf32>
          %add3A_1091 = arith.addf %add3A_1052, %mul3A_1090 : vector<16xf32>
          %get3A_1092 = arith.index_cast %select_n3A_171 : i32 to index
          %get3A_1093 = arith.index_cast %add3A_1079 : i32 to index
          %get3A_1094 = arith.constant 16 : index
          %get3A_1095 = tpu.vector_load %arg8[%get3A_1092, %get3A_1093, %get3A_1094] {strides = array<i32>} : memref<2x1600x32xi32, #tpu.memory_space<vmem>>, vector<1x1x16xi32>,
          %get3A_1096 = vector.shape_cast %get3A_1095 : vector<1x1x16xi32> to vector<16xi32>
          %shift_left3A_1097 = arith.shli %get3A_1096, %broadcast_in_dim3A_5 : vector<16xi32>
          %bitcast_convert_type3A_1098 = tpu.bitcast %shift_left3A_1097 : vector<16xi32> -> vector<16xf32>
          %bitcast_convert_type3A_1099 = tpu.bitcast %get3A_1096 : vector<16xi32> -> vector<16xf32>
          %mul3A_1100 = arith.mulf %gather3A_1074, %bitcast_convert_type3A_1098 : vector<16xf32>
          %add3A_1101 = arith.addf %add3A_1062, %mul3A_1100 : vector<16xf32>
          %mul3A_1102 = arith.mulf %gather3A_1074, %bitcast_convert_type3A_1099 : vector<16xf32>
          %add3A_1103 = arith.addf %add3A_1064, %mul3A_1102 : vector<16xf32>
          %lt3A_1104 = arith.constant 0 : i32
          %lt3A_1105 = vector.broadcast %lt3A_1104 : i32 to vector<16xi32>
          %lt3A_1106 = arith.cmpi slt, %broadcast_in_dim3A_29, %lt3A_1105 : vector<16xi32>
          %add3A_1107 = arith.constant 16 : i32
          %add3A_1108 = vector.broadcast %add3A_1107 : i32 to vector<16xi32>
          %add3A_1109 = arith.addi %broadcast_in_dim3A_29, %add3A_1108 : vector<16xi32>
          %select_n3A_1110 = arith.select %lt3A_1106, %add3A_1109, %broadcast_in_dim3A_29 : vector<16xi1>, vector<16xi32>
          %broadcast_in_dim3A_1111 = vector.shape_cast %select_n3A_1110 : vector<16xi32> to vector<16x1xi32>
          %gather3A_1112 = vector.shape_cast %broadcast_in_dim3A_1111 : vector<16x1xi32> to vector<16xi32>
          %gather3A_1113 = tpu.dynamic_gather %get3A_674[%gather3A_1112] in [0] : vector<16xf32>, vector<16xi32> -> vector<16xf32>
          %mul3A_1114 = arith.constant 16 : i32
          %mul3A_1115 = arith.muli %scan3A_663, %mul3A_1114 : i32
          %add3A_1116 = arith.addi %mul3A_291, %mul3A_1115 : i32
          %add3A_1117 = arith.constant 11 : i32
          %add3A_1118 = arith.addi %add3A_1116, %add3A_1117 : i32
          %get3A_1119 = arith.index_cast %select_n3A_171 : i32 to index
          %get3A_1120 = arith.index_cast %add3A_1118 : i32 to index
          %get3A_1121 = arith.constant 0 : index
          %get3A_1122 = tpu.vector_load %arg8[%get3A_1119, %get3A_1120, %get3A_1121] {strides = array<i32>} : memref<2x1600x32xi32, #tpu.memory_space<vmem>>, vector<1x1x16xi32>,
          %get3A_1123 = vector.shape_cast %get3A_1122 : vector<1x1x16xi32> to vector<16xi32>
          %shift_left3A_1124 = arith.shli %get3A_1123, %broadcast_in_dim3A_5 : vector<16xi32>
          %bitcast_convert_type3A_1125 = tpu.bitcast %shift_left3A_1124 : vector<16xi32> -> vector<16xf32>
          %bitcast_convert_type3A_1126 = tpu.bitcast %get3A_1123 : vector<16xi32> -> vector<16xf32>
          %mul3A_1127 = arith.mulf %gather3A_1113, %bitcast_convert_type3A_1125 : vector<16xf32>
          %add3A_1128 = arith.addf %add3A_1089, %mul3A_1127 : vector<16xf32>
          %mul3A_1129 = arith.mulf %gather3A_1113, %bitcast_convert_type3A_1126 : vector<16xf32>
          %add3A_1130 = arith.addf %add3A_1091, %mul3A_1129 : vector<16xf32>
          %get3A_1131 = arith.index_cast %select_n3A_171 : i32 to index
          %get3A_1132 = arith.index_cast %add3A_1118 : i32 to index
          %get3A_1133 = arith.constant 16 : index
          %get3A_1134 = tpu.vector_load %arg8[%get3A_1131, %get3A_1132, %get3A_1133] {strides = array<i32>} : memref<2x1600x32xi32, #tpu.memory_space<vmem>>, vector<1x1x16xi32>,
          %get3A_1135 = vector.shape_cast %get3A_1134 : vector<1x1x16xi32> to vector<16xi32>
          %shift_left3A_1136 = arith.shli %get3A_1135, %broadcast_in_dim3A_5 : vector<16xi32>
          %bitcast_convert_type3A_1137 = tpu.bitcast %shift_left3A_1136 : vector<16xi32> -> vector<16xf32>
          %bitcast_convert_type3A_1138 = tpu.bitcast %get3A_1135 : vector<16xi32> -> vector<16xf32>
          %mul3A_1139 = arith.mulf %gather3A_1113, %bitcast_convert_type3A_1137 : vector<16xf32>
          %add3A_1140 = arith.addf %add3A_1101, %mul3A_1139 : vector<16xf32>
          %mul3A_1141 = arith.mulf %gather3A_1113, %bitcast_convert_type3A_1138 : vector<16xf32>
          %add3A_1142 = arith.addf %add3A_1103, %mul3A_1141 : vector<16xf32>
          %lt3A_1143 = arith.constant 0 : i32
          %lt3A_1144 = vector.broadcast %lt3A_1143 : i32 to vector<16xi32>
          %lt3A_1145 = arith.cmpi slt, %broadcast_in_dim3A_31, %lt3A_1144 : vector<16xi32>
          %add3A_1146 = arith.constant 16 : i32
          %add3A_1147 = vector.broadcast %add3A_1146 : i32 to vector<16xi32>
          %add3A_1148 = arith.addi %broadcast_in_dim3A_31, %add3A_1147 : vector<16xi32>
          %select_n3A_1149 = arith.select %lt3A_1145, %add3A_1148, %broadcast_in_dim3A_31 : vector<16xi1>, vector<16xi32>
          %broadcast_in_dim3A_1150 = vector.shape_cast %select_n3A_1149 : vector<16xi32> to vector<16x1xi32>
          %gather3A_1151 = vector.shape_cast %broadcast_in_dim3A_1150 : vector<16x1xi32> to vector<16xi32>
          %gather3A_1152 = tpu.dynamic_gather %get3A_674[%gather3A_1151] in [0] : vector<16xf32>, vector<16xi32> -> vector<16xf32>
          %mul3A_1153 = arith.constant 16 : i32
          %mul3A_1154 = arith.muli %scan3A_663, %mul3A_1153 : i32
          %add3A_1155 = arith.addi %mul3A_291, %mul3A_1154 : i32
          %add3A_1156 = arith.constant 12 : i32
          %add3A_1157 = arith.addi %add3A_1155, %add3A_1156 : i32
          %get3A_1158 = arith.index_cast %select_n3A_171 : i32 to index
          %get3A_1159 = arith.index_cast %add3A_1157 : i32 to index
          %get3A_1160 = arith.constant 0 : index
          %get3A_1161 = tpu.vector_load %arg8[%get3A_1158, %get3A_1159, %get3A_1160] {strides = array<i32>} : memref<2x1600x32xi32, #tpu.memory_space<vmem>>, vector<1x1x16xi32>,
          %get3A_1162 = vector.shape_cast %get3A_1161 : vector<1x1x16xi32> to vector<16xi32>
          %shift_left3A_1163 = arith.shli %get3A_1162, %broadcast_in_dim3A_5 : vector<16xi32>
          %bitcast_convert_type3A_1164 = tpu.bitcast %shift_left3A_1163 : vector<16xi32> -> vector<16xf32>
          %bitcast_convert_type3A_1165 = tpu.bitcast %get3A_1162 : vector<16xi32> -> vector<16xf32>
          %mul3A_1166 = arith.mulf %gather3A_1152, %bitcast_convert_type3A_1164 : vector<16xf32>
          %add3A_1167 = arith.addf %add3A_1128, %mul3A_1166 : vector<16xf32>
          %mul3A_1168 = arith.mulf %gather3A_1152, %bitcast_convert_type3A_1165 : vector<16xf32>
          %add3A_1169 = arith.addf %add3A_1130, %mul3A_1168 : vector<16xf32>
          %get3A_1170 = arith.index_cast %select_n3A_171 : i32 to index
          %get3A_1171 = arith.index_cast %add3A_1157 : i32 to index
          %get3A_1172 = arith.constant 16 : index
          %get3A_1173 = tpu.vector_load %arg8[%get3A_1170, %get3A_1171, %get3A_1172] {strides = array<i32>} : memref<2x1600x32xi32, #tpu.memory_space<vmem>>, vector<1x1x16xi32>,
          %get3A_1174 = vector.shape_cast %get3A_1173 : vector<1x1x16xi32> to vector<16xi32>
          %shift_left3A_1175 = arith.shli %get3A_1174, %broadcast_in_dim3A_5 : vector<16xi32>
          %bitcast_convert_type3A_1176 = tpu.bitcast %shift_left3A_1175 : vector<16xi32> -> vector<16xf32>
          %bitcast_convert_type3A_1177 = tpu.bitcast %get3A_1174 : vector<16xi32> -> vector<16xf32>
          %mul3A_1178 = arith.mulf %gather3A_1152, %bitcast_convert_type3A_1176 : vector<16xf32>
          %add3A_1179 = arith.addf %add3A_1140, %mul3A_1178 : vector<16xf32>
          %mul3A_1180 = arith.mulf %gather3A_1152, %bitcast_convert_type3A_1177 : vector<16xf32>
          %add3A_1181 = arith.addf %add3A_1142, %mul3A_1180 : vector<16xf32>
          %lt3A_1182 = arith.constant 0 : i32
          %lt3A_1183 = vector.broadcast %lt3A_1182 : i32 to vector<16xi32>
          %lt3A_1184 = arith.cmpi slt, %broadcast_in_dim3A_33, %lt3A_1183 : vector<16xi32>
          %add3A_1185 = arith.constant 16 : i32
          %add3A_1186 = vector.broadcast %add3A_1185 : i32 to vector<16xi32>
          %add3A_1187 = arith.addi %broadcast_in_dim3A_33, %add3A_1186 : vector<16xi32>
          %select_n3A_1188 = arith.select %lt3A_1184, %add3A_1187, %broadcast_in_dim3A_33 : vector<16xi1>, vector<16xi32>
          %broadcast_in_dim3A_1189 = vector.shape_cast %select_n3A_1188 : vector<16xi32> to vector<16x1xi32>
          %gather3A_1190 = vector.shape_cast %broadcast_in_dim3A_1189 : vector<16x1xi32> to vector<16xi32>
          %gather3A_1191 = tpu.dynamic_gather %get3A_674[%gather3A_1190] in [0] : vector<16xf32>, vector<16xi32> -> vector<16xf32>
          %mul3A_1192 = arith.constant 16 : i32
          %mul3A_1193 = arith.muli %scan3A_663, %mul3A_1192 : i32
          %add3A_1194 = arith.addi %mul3A_291, %mul3A_1193 : i32
          %add3A_1195 = arith.constant 13 : i32
          %add3A_1196 = arith.addi %add3A_1194, %add3A_1195 : i32
          %get3A_1197 = arith.index_cast %select_n3A_171 : i32 to index
          %get3A_1198 = arith.index_cast %add3A_1196 : i32 to index
          %get3A_1199 = arith.constant 0 : index
          %get3A_1200 = tpu.vector_load %arg8[%get3A_1197, %get3A_1198, %get3A_1199] {strides = array<i32>} : memref<2x1600x32xi32, #tpu.memory_space<vmem>>, vector<1x1x16xi32>,
          %get3A_1201 = vector.shape_cast %get3A_1200 : vector<1x1x16xi32> to vector<16xi32>
          %shift_left3A_1202 = arith.shli %get3A_1201, %broadcast_in_dim3A_5 : vector<16xi32>
          %bitcast_convert_type3A_1203 = tpu.bitcast %shift_left3A_1202 : vector<16xi32> -> vector<16xf32>
          %bitcast_convert_type3A_1204 = tpu.bitcast %get3A_1201 : vector<16xi32> -> vector<16xf32>
          %mul3A_1205 = arith.mulf %gather3A_1191, %bitcast_convert_type3A_1203 : vector<16xf32>
          %add3A_1206 = arith.addf %add3A_1167, %mul3A_1205 : vector<16xf32>
          %mul3A_1207 = arith.mulf %gather3A_1191, %bitcast_convert_type3A_1204 : vector<16xf32>
          %add3A_1208 = arith.addf %add3A_1169, %mul3A_1207 : vector<16xf32>
          %get3A_1209 = arith.index_cast %select_n3A_171 : i32 to index
          %get3A_1210 = arith.index_cast %add3A_1196 : i32 to index
          %get3A_1211 = arith.constant 16 : index
          %get3A_1212 = tpu.vector_load %arg8[%get3A_1209, %get3A_1210, %get3A_1211] {strides = array<i32>} : memref<2x1600x32xi32, #tpu.memory_space<vmem>>, vector<1x1x16xi32>,
          %get3A_1213 = vector.shape_cast %get3A_1212 : vector<1x1x16xi32> to vector<16xi32>
          %shift_left3A_1214 = arith.shli %get3A_1213, %broadcast_in_dim3A_5 : vector<16xi32>
          %bitcast_convert_type3A_1215 = tpu.bitcast %shift_left3A_1214 : vector<16xi32> -> vector<16xf32>
          %bitcast_convert_type3A_1216 = tpu.bitcast %get3A_1213 : vector<16xi32> -> vector<16xf32>
          %mul3A_1217 = arith.mulf %gather3A_1191, %bitcast_convert_type3A_1215 : vector<16xf32>
          %add3A_1218 = arith.addf %add3A_1179, %mul3A_1217 : vector<16xf32>
          %mul3A_1219 = arith.mulf %gather3A_1191, %bitcast_convert_type3A_1216 : vector<16xf32>
          %add3A_1220 = arith.addf %add3A_1181, %mul3A_1219 : vector<16xf32>
          %lt3A_1221 = arith.constant 0 : i32
          %lt3A_1222 = vector.broadcast %lt3A_1221 : i32 to vector<16xi32>
          %lt3A_1223 = arith.cmpi slt, %broadcast_in_dim3A_35, %lt3A_1222 : vector<16xi32>
          %add3A_1224 = arith.constant 16 : i32
          %add3A_1225 = vector.broadcast %add3A_1224 : i32 to vector<16xi32>
          %add3A_1226 = arith.addi %broadcast_in_dim3A_35, %add3A_1225 : vector<16xi32>
          %select_n3A_1227 = arith.select %lt3A_1223, %add3A_1226, %broadcast_in_dim3A_35 : vector<16xi1>, vector<16xi32>
          %broadcast_in_dim3A_1228 = vector.shape_cast %select_n3A_1227 : vector<16xi32> to vector<16x1xi32>
          %gather3A_1229 = vector.shape_cast %broadcast_in_dim3A_1228 : vector<16x1xi32> to vector<16xi32>
          %gather3A_1230 = tpu.dynamic_gather %get3A_674[%gather3A_1229] in [0] : vector<16xf32>, vector<16xi32> -> vector<16xf32>
          %mul3A_1231 = arith.constant 16 : i32
          %mul3A_1232 = arith.muli %scan3A_663, %mul3A_1231 : i32
          %add3A_1233 = arith.addi %mul3A_291, %mul3A_1232 : i32
          %add3A_1234 = arith.constant 14 : i32
          %add3A_1235 = arith.addi %add3A_1233, %add3A_1234 : i32
          %get3A_1236 = arith.index_cast %select_n3A_171 : i32 to index
          %get3A_1237 = arith.index_cast %add3A_1235 : i32 to index
          %get3A_1238 = arith.constant 0 : index
          %get3A_1239 = tpu.vector_load %arg8[%get3A_1236, %get3A_1237, %get3A_1238] {strides = array<i32>} : memref<2x1600x32xi32, #tpu.memory_space<vmem>>, vector<1x1x16xi32>,
          %get3A_1240 = vector.shape_cast %get3A_1239 : vector<1x1x16xi32> to vector<16xi32>
          %shift_left3A_1241 = arith.shli %get3A_1240, %broadcast_in_dim3A_5 : vector<16xi32>
          %bitcast_convert_type3A_1242 = tpu.bitcast %shift_left3A_1241 : vector<16xi32> -> vector<16xf32>
          %bitcast_convert_type3A_1243 = tpu.bitcast %get3A_1240 : vector<16xi32> -> vector<16xf32>
          %mul3A_1244 = arith.mulf %gather3A_1230, %bitcast_convert_type3A_1242 : vector<16xf32>
          %add3A_1245 = arith.addf %add3A_1206, %mul3A_1244 : vector<16xf32>
          %mul3A_1246 = arith.mulf %gather3A_1230, %bitcast_convert_type3A_1243 : vector<16xf32>
          %add3A_1247 = arith.addf %add3A_1208, %mul3A_1246 : vector<16xf32>
          %get3A_1248 = arith.index_cast %select_n3A_171 : i32 to index
          %get3A_1249 = arith.index_cast %add3A_1235 : i32 to index
          %get3A_1250 = arith.constant 16 : index
          %get3A_1251 = tpu.vector_load %arg8[%get3A_1248, %get3A_1249, %get3A_1250] {strides = array<i32>} : memref<2x1600x32xi32, #tpu.memory_space<vmem>>, vector<1x1x16xi32>,
          %get3A_1252 = vector.shape_cast %get3A_1251 : vector<1x1x16xi32> to vector<16xi32>
          %shift_left3A_1253 = arith.shli %get3A_1252, %broadcast_in_dim3A_5 : vector<16xi32>
          %bitcast_convert_type3A_1254 = tpu.bitcast %shift_left3A_1253 : vector<16xi32> -> vector<16xf32>
          %bitcast_convert_type3A_1255 = tpu.bitcast %get3A_1252 : vector<16xi32> -> vector<16xf32>
          %mul3A_1256 = arith.mulf %gather3A_1230, %bitcast_convert_type3A_1254 : vector<16xf32>
          %add3A_1257 = arith.addf %add3A_1218, %mul3A_1256 : vector<16xf32>
          %mul3A_1258 = arith.mulf %gather3A_1230, %bitcast_convert_type3A_1255 : vector<16xf32>
          %add3A_1259 = arith.addf %add3A_1220, %mul3A_1258 : vector<16xf32>
          %lt3A_1260 = arith.constant 0 : i32
          %lt3A_1261 = vector.broadcast %lt3A_1260 : i32 to vector<16xi32>
          %lt3A_1262 = arith.cmpi slt, %broadcast_in_dim3A_37, %lt3A_1261 : vector<16xi32>
          %add3A_1263 = arith.constant 16 : i32
          %add3A_1264 = vector.broadcast %add3A_1263 : i32 to vector<16xi32>
          %add3A_1265 = arith.addi %broadcast_in_dim3A_37, %add3A_1264 : vector<16xi32>
          %select_n3A_1266 = arith.select %lt3A_1262, %add3A_1265, %broadcast_in_dim3A_37 : vector<16xi1>, vector<16xi32>
          %broadcast_in_dim3A_1267 = vector.shape_cast %select_n3A_1266 : vector<16xi32> to vector<16x1xi32>
          %gather3A_1268 = vector.shape_cast %broadcast_in_dim3A_1267 : vector<16x1xi32> to vector<16xi32>
          %gather3A_1269 = tpu.dynamic_gather %get3A_674[%gather3A_1268] in [0] : vector<16xf32>, vector<16xi32> -> vector<16xf32>
          %mul3A_1270 = arith.constant 16 : i32
          %mul3A_1271 = arith.muli %scan3A_663, %mul3A_1270 : i32
          %add3A_1272 = arith.addi %mul3A_291, %mul3A_1271 : i32
          %add3A_1273 = arith.constant 15 : i32
          %add3A_1274 = arith.addi %add3A_1272, %add3A_1273 : i32
          %get3A_1275 = arith.index_cast %select_n3A_171 : i32 to index
          %get3A_1276 = arith.index_cast %add3A_1274 : i32 to index
          %get3A_1277 = arith.constant 0 : index
          %get3A_1278 = tpu.vector_load %arg8[%get3A_1275, %get3A_1276, %get3A_1277] {strides = array<i32>} : memref<2x1600x32xi32, #tpu.memory_space<vmem>>, vector<1x1x16xi32>,
          %get3A_1279 = vector.shape_cast %get3A_1278 : vector<1x1x16xi32> to vector<16xi32>
          %shift_left3A_1280 = arith.shli %get3A_1279, %broadcast_in_dim3A_5 : vector<16xi32>
          %bitcast_convert_type3A_1281 = tpu.bitcast %shift_left3A_1280 : vector<16xi32> -> vector<16xf32>
          %bitcast_convert_type3A_1282 = tpu.bitcast %get3A_1279 : vector<16xi32> -> vector<16xf32>
          %mul3A_1283 = arith.mulf %gather3A_1269, %bitcast_convert_type3A_1281 : vector<16xf32>
          %add3A_1284 = arith.addf %add3A_1245, %mul3A_1283 : vector<16xf32>
          %mul3A_1285 = arith.mulf %gather3A_1269, %bitcast_convert_type3A_1282 : vector<16xf32>
          %add3A_1286 = arith.addf %add3A_1247, %mul3A_1285 : vector<16xf32>
          %get3A_1287 = arith.index_cast %select_n3A_171 : i32 to index
          %get3A_1288 = arith.index_cast %add3A_1274 : i32 to index
          %get3A_1289 = arith.constant 16 : index
          %get3A_1290 = tpu.vector_load %arg8[%get3A_1287, %get3A_1288, %get3A_1289] {strides = array<i32>} : memref<2x1600x32xi32, #tpu.memory_space<vmem>>, vector<1x1x16xi32>,
          %get3A_1291 = vector.shape_cast %get3A_1290 : vector<1x1x16xi32> to vector<16xi32>
          %shift_left3A_1292 = arith.shli %get3A_1291, %broadcast_in_dim3A_5 : vector<16xi32>
          %bitcast_convert_type3A_1293 = tpu.bitcast %shift_left3A_1292 : vector<16xi32> -> vector<16xf32>
          %bitcast_convert_type3A_1294 = tpu.bitcast %get3A_1291 : vector<16xi32> -> vector<16xf32>
          %mul3A_1295 = arith.mulf %gather3A_1269, %bitcast_convert_type3A_1293 : vector<16xf32>
          %add3A_1296 = arith.addf %add3A_1257, %mul3A_1295 : vector<16xf32>
          %mul3A_1297 = arith.mulf %gather3A_1269, %bitcast_convert_type3A_1294 : vector<16xf32>
          %add3A_1298 = arith.addf %add3A_1259, %mul3A_1297 : vector<16xf32>
          scf.yield %add3A_1284, %add3A_1286, %add3A_1296, %add3A_1298 : vector<16xf32>, vector<16xf32>, vector<16xf32>, vector<16xf32>
        }
        %scan3A_299 = arith.constant 12 : i32
        %add3A_300 = arith.constant 200 : i32
        %add3A_301 = arith.addi %mul3A_291, %add3A_300 : i32
        %sub3A_302 = arith.constant 16 : i32
        %sub3A_303 = arith.subi %add3A_301, %sub3A_302 : i32
        %get3A = arith.index_cast %select_n3A_171 : i32 to index
        %get3A_304 = arith.index_cast %sub3A_303 : i32 to index
        %get3A_305 = tpu.vector_load %arg7[%get3A, %get3A_304] {strides = array<i32>} : memref<2x1600xf32, #tpu.memory_space<vmem>>, vector<1x16xf32>,
        %get3A_306 = vector.shape_cast %get3A_305 : vector<1x16xf32> to vector<16xf32>
        %lt3A_307 = arith.constant 0 : i32
        %lt3A_308 = vector.broadcast %lt3A_307 : i32 to vector<16xi32>
        %lt3A_309 = arith.cmpi slt, %broadcast_in_dim3A_23, %lt3A_308 : vector<16xi32>
        %add3A_310 = arith.constant 16 : i32
        %add3A_311 = vector.broadcast %add3A_310 : i32 to vector<16xi32>
        %add3A_312 = arith.addi %broadcast_in_dim3A_23, %add3A_311 : vector<16xi32>
        %select_n3A_313 = arith.select %lt3A_309, %add3A_312, %broadcast_in_dim3A_23 : vector<16xi1>, vector<16xi32>
        %broadcast_in_dim3A_314 = vector.shape_cast %select_n3A_313 : vector<16xi32> to vector<16x1xi32>
        %gather3A = vector.shape_cast %broadcast_in_dim3A_314 : vector<16x1xi32> to vector<16xi32>
        %gather3A_315 = tpu.dynamic_gather %get3A_306[%gather3A] in [0] : vector<16xf32>, vector<16xi32> -> vector<16xf32>
        %add3A_316 = arith.constant 200 : i32
        %add3A_317 = arith.addi %mul3A_291, %add3A_316 : i32
        %sub3A_318 = arith.constant 16 : i32
        %sub3A_319 = arith.subi %add3A_317, %sub3A_318 : i32
        %add3A_320 = arith.constant 8 : i32
        %add3A_321 = arith.addi %sub3A_319, %add3A_320 : i32
        %get3A_322 = arith.index_cast %select_n3A_171 : i32 to index
        %get3A_323 = arith.index_cast %add3A_321 : i32 to index
        %get3A_324 = arith.constant 0 : index
        %get3A_325 = tpu.vector_load %arg8[%get3A_322, %get3A_323, %get3A_324] {strides = array<i32>} : memref<2x1600x32xi32, #tpu.memory_space<vmem>>, vector<1x1x16xi32>,
        %get3A_326 = vector.shape_cast %get3A_325 : vector<1x1x16xi32> to vector<16xi32>
        %shift_left3A = arith.shli %get3A_326, %broadcast_in_dim3A_5 : vector<16xi32>
        %bitcast_convert_type3A = tpu.bitcast %shift_left3A : vector<16xi32> -> vector<16xf32>
        %bitcast_convert_type3A_327 = tpu.bitcast %get3A_326 : vector<16xi32> -> vector<16xf32>
        %mul3A_328 = arith.mulf %gather3A_315, %bitcast_convert_type3A : vector<16xf32>
        %add3A_329 = arith.addf %scan3A_298#0, %mul3A_328 : vector<16xf32>
        %mul3A_330 = arith.mulf %gather3A_315, %bitcast_convert_type3A_327 : vector<16xf32>
        %add3A_331 = arith.addf %scan3A_298#1, %mul3A_330 : vector<16xf32>
        %get3A_332 = arith.index_cast %select_n3A_171 : i32 to index
        %get3A_333 = arith.index_cast %add3A_321 : i32 to index
        %get3A_334 = arith.constant 16 : index
        %get3A_335 = tpu.vector_load %arg8[%get3A_332, %get3A_333, %get3A_334] {strides = array<i32>} : memref<2x1600x32xi32, #tpu.memory_space<vmem>>, vector<1x1x16xi32>,
        %get3A_336 = vector.shape_cast %get3A_335 : vector<1x1x16xi32> to vector<16xi32>
        %shift_left3A_337 = arith.shli %get3A_336, %broadcast_in_dim3A_5 : vector<16xi32>
        %bitcast_convert_type3A_338 = tpu.bitcast %shift_left3A_337 : vector<16xi32> -> vector<16xf32>
        %bitcast_convert_type3A_339 = tpu.bitcast %get3A_336 : vector<16xi32> -> vector<16xf32>
        %mul3A_340 = arith.mulf %gather3A_315, %bitcast_convert_type3A_338 : vector<16xf32>
        %add3A_341 = arith.addf %scan3A_298#2, %mul3A_340 : vector<16xf32>
        %mul3A_342 = arith.mulf %gather3A_315, %bitcast_convert_type3A_339 : vector<16xf32>
        %add3A_343 = arith.addf %scan3A_298#3, %mul3A_342 : vector<16xf32>
        %lt3A_344 = arith.constant 0 : i32
        %lt3A_345 = vector.broadcast %lt3A_344 : i32 to vector<16xi32>
        %lt3A_346 = arith.cmpi slt, %broadcast_in_dim3A_25, %lt3A_345 : vector<16xi32>
        %add3A_347 = arith.constant 16 : i32
        %add3A_348 = vector.broadcast %add3A_347 : i32 to vector<16xi32>
        %add3A_349 = arith.addi %broadcast_in_dim3A_25, %add3A_348 : vector<16xi32>
        %select_n3A_350 = arith.select %lt3A_346, %add3A_349, %broadcast_in_dim3A_25 : vector<16xi1>, vector<16xi32>
        %broadcast_in_dim3A_351 = vector.shape_cast %select_n3A_350 : vector<16xi32> to vector<16x1xi32>
        %gather3A_352 = vector.shape_cast %broadcast_in_dim3A_351 : vector<16x1xi32> to vector<16xi32>
        %gather3A_353 = tpu.dynamic_gather %get3A_306[%gather3A_352] in [0] : vector<16xf32>, vector<16xi32> -> vector<16xf32>
        %add3A_354 = arith.constant 200 : i32
        %add3A_355 = arith.addi %mul3A_291, %add3A_354 : i32
        %sub3A_356 = arith.constant 16 : i32
        %sub3A_357 = arith.subi %add3A_355, %sub3A_356 : i32
        %add3A_358 = arith.constant 9 : i32
        %add3A_359 = arith.addi %sub3A_357, %add3A_358 : i32
        %get3A_360 = arith.index_cast %select_n3A_171 : i32 to index
        %get3A_361 = arith.index_cast %add3A_359 : i32 to index
        %get3A_362 = arith.constant 0 : index
        %get3A_363 = tpu.vector_load %arg8[%get3A_360, %get3A_361, %get3A_362] {strides = array<i32>} : memref<2x1600x32xi32, #tpu.memory_space<vmem>>, vector<1x1x16xi32>,
        %get3A_364 = vector.shape_cast %get3A_363 : vector<1x1x16xi32> to vector<16xi32>
        %shift_left3A_365 = arith.shli %get3A_364, %broadcast_in_dim3A_5 : vector<16xi32>
        %bitcast_convert_type3A_366 = tpu.bitcast %shift_left3A_365 : vector<16xi32> -> vector<16xf32>
        %bitcast_convert_type3A_367 = tpu.bitcast %get3A_364 : vector<16xi32> -> vector<16xf32>
        %mul3A_368 = arith.mulf %gather3A_353, %bitcast_convert_type3A_366 : vector<16xf32>
        %add3A_369 = arith.addf %add3A_329, %mul3A_368 : vector<16xf32>
        %mul3A_370 = arith.mulf %gather3A_353, %bitcast_convert_type3A_367 : vector<16xf32>
        %add3A_371 = arith.addf %add3A_331, %mul3A_370 : vector<16xf32>
        %get3A_372 = arith.index_cast %select_n3A_171 : i32 to index
        %get3A_373 = arith.index_cast %add3A_359 : i32 to index
        %get3A_374 = arith.constant 16 : index
        %get3A_375 = tpu.vector_load %arg8[%get3A_372, %get3A_373, %get3A_374] {strides = array<i32>} : memref<2x1600x32xi32, #tpu.memory_space<vmem>>, vector<1x1x16xi32>,
        %get3A_376 = vector.shape_cast %get3A_375 : vector<1x1x16xi32> to vector<16xi32>
        %shift_left3A_377 = arith.shli %get3A_376, %broadcast_in_dim3A_5 : vector<16xi32>
        %bitcast_convert_type3A_378 = tpu.bitcast %shift_left3A_377 : vector<16xi32> -> vector<16xf32>
        %bitcast_convert_type3A_379 = tpu.bitcast %get3A_376 : vector<16xi32> -> vector<16xf32>
        %mul3A_380 = arith.mulf %gather3A_353, %bitcast_convert_type3A_378 : vector<16xf32>
        %add3A_381 = arith.addf %add3A_341, %mul3A_380 : vector<16xf32>
        %mul3A_382 = arith.mulf %gather3A_353, %bitcast_convert_type3A_379 : vector<16xf32>
        %add3A_383 = arith.addf %add3A_343, %mul3A_382 : vector<16xf32>
        %lt3A_384 = arith.constant 0 : i32
        %lt3A_385 = vector.broadcast %lt3A_384 : i32 to vector<16xi32>
        %lt3A_386 = arith.cmpi slt, %broadcast_in_dim3A_27, %lt3A_385 : vector<16xi32>
        %add3A_387 = arith.constant 16 : i32
        %add3A_388 = vector.broadcast %add3A_387 : i32 to vector<16xi32>
        %add3A_389 = arith.addi %broadcast_in_dim3A_27, %add3A_388 : vector<16xi32>
        %select_n3A_390 = arith.select %lt3A_386, %add3A_389, %broadcast_in_dim3A_27 : vector<16xi1>, vector<16xi32>
        %broadcast_in_dim3A_391 = vector.shape_cast %select_n3A_390 : vector<16xi32> to vector<16x1xi32>
        %gather3A_392 = vector.shape_cast %broadcast_in_dim3A_391 : vector<16x1xi32> to vector<16xi32>
        %gather3A_393 = tpu.dynamic_gather %get3A_306[%gather3A_392] in [0] : vector<16xf32>, vector<16xi32> -> vector<16xf32>
        %add3A_394 = arith.constant 200 : i32
        %add3A_395 = arith.addi %mul3A_291, %add3A_394 : i32
        %sub3A_396 = arith.constant 16 : i32
        %sub3A_397 = arith.subi %add3A_395, %sub3A_396 : i32
        %add3A_398 = arith.constant 10 : i32
        %add3A_399 = arith.addi %sub3A_397, %add3A_398 : i32
        %get3A_400 = arith.index_cast %select_n3A_171 : i32 to index
        %get3A_401 = arith.index_cast %add3A_399 : i32 to index
        %get3A_402 = arith.constant 0 : index
        %get3A_403 = tpu.vector_load %arg8[%get3A_400, %get3A_401, %get3A_402] {strides = array<i32>} : memref<2x1600x32xi32, #tpu.memory_space<vmem>>, vector<1x1x16xi32>,
        %get3A_404 = vector.shape_cast %get3A_403 : vector<1x1x16xi32> to vector<16xi32>
        %shift_left3A_405 = arith.shli %get3A_404, %broadcast_in_dim3A_5 : vector<16xi32>
        %bitcast_convert_type3A_406 = tpu.bitcast %shift_left3A_405 : vector<16xi32> -> vector<16xf32>
        %bitcast_convert_type3A_407 = tpu.bitcast %get3A_404 : vector<16xi32> -> vector<16xf32>
        %mul3A_408 = arith.mulf %gather3A_393, %bitcast_convert_type3A_406 : vector<16xf32>
        %add3A_409 = arith.addf %add3A_369, %mul3A_408 : vector<16xf32>
        %mul3A_410 = arith.mulf %gather3A_393, %bitcast_convert_type3A_407 : vector<16xf32>
        %add3A_411 = arith.addf %add3A_371, %mul3A_410 : vector<16xf32>
        %get3A_412 = arith.index_cast %select_n3A_171 : i32 to index
        %get3A_413 = arith.index_cast %add3A_399 : i32 to index
        %get3A_414 = arith.constant 16 : index
        %get3A_415 = tpu.vector_load %arg8[%get3A_412, %get3A_413, %get3A_414] {strides = array<i32>} : memref<2x1600x32xi32, #tpu.memory_space<vmem>>, vector<1x1x16xi32>,
        %get3A_416 = vector.shape_cast %get3A_415 : vector<1x1x16xi32> to vector<16xi32>
        %shift_left3A_417 = arith.shli %get3A_416, %broadcast_in_dim3A_5 : vector<16xi32>
        %bitcast_convert_type3A_418 = tpu.bitcast %shift_left3A_417 : vector<16xi32> -> vector<16xf32>
        %bitcast_convert_type3A_419 = tpu.bitcast %get3A_416 : vector<16xi32> -> vector<16xf32>
        %mul3A_420 = arith.mulf %gather3A_393, %bitcast_convert_type3A_418 : vector<16xf32>
        %add3A_421 = arith.addf %add3A_381, %mul3A_420 : vector<16xf32>
        %mul3A_422 = arith.mulf %gather3A_393, %bitcast_convert_type3A_419 : vector<16xf32>
        %add3A_423 = arith.addf %add3A_383, %mul3A_422 : vector<16xf32>
        %lt3A_424 = arith.constant 0 : i32
        %lt3A_425 = vector.broadcast %lt3A_424 : i32 to vector<16xi32>
        %lt3A_426 = arith.cmpi slt, %broadcast_in_dim3A_29, %lt3A_425 : vector<16xi32>
        %add3A_427 = arith.constant 16 : i32
        %add3A_428 = vector.broadcast %add3A_427 : i32 to vector<16xi32>
        %add3A_429 = arith.addi %broadcast_in_dim3A_29, %add3A_428 : vector<16xi32>
        %select_n3A_430 = arith.select %lt3A_426, %add3A_429, %broadcast_in_dim3A_29 : vector<16xi1>, vector<16xi32>
        %broadcast_in_dim3A_431 = vector.shape_cast %select_n3A_430 : vector<16xi32> to vector<16x1xi32>
        %gather3A_432 = vector.shape_cast %broadcast_in_dim3A_431 : vector<16x1xi32> to vector<16xi32>
        %gather3A_433 = tpu.dynamic_gather %get3A_306[%gather3A_432] in [0] : vector<16xf32>, vector<16xi32> -> vector<16xf32>
        %add3A_434 = arith.constant 200 : i32
        %add3A_435 = arith.addi %mul3A_291, %add3A_434 : i32
        %sub3A_436 = arith.constant 16 : i32
        %sub3A_437 = arith.subi %add3A_435, %sub3A_436 : i32
        %add3A_438 = arith.constant 11 : i32
        %add3A_439 = arith.addi %sub3A_437, %add3A_438 : i32
        %get3A_440 = arith.index_cast %select_n3A_171 : i32 to index
        %get3A_441 = arith.index_cast %add3A_439 : i32 to index
        %get3A_442 = arith.constant 0 : index
        %get3A_443 = tpu.vector_load %arg8[%get3A_440, %get3A_441, %get3A_442] {strides = array<i32>} : memref<2x1600x32xi32, #tpu.memory_space<vmem>>, vector<1x1x16xi32>,
        %get3A_444 = vector.shape_cast %get3A_443 : vector<1x1x16xi32> to vector<16xi32>
        %shift_left3A_445 = arith.shli %get3A_444, %broadcast_in_dim3A_5 : vector<16xi32>
        %bitcast_convert_type3A_446 = tpu.bitcast %shift_left3A_445 : vector<16xi32> -> vector<16xf32>
        %bitcast_convert_type3A_447 = tpu.bitcast %get3A_444 : vector<16xi32> -> vector<16xf32>
        %mul3A_448 = arith.mulf %gather3A_433, %bitcast_convert_type3A_446 : vector<16xf32>
        %add3A_449 = arith.addf %add3A_409, %mul3A_448 : vector<16xf32>
        %mul3A_450 = arith.mulf %gather3A_433, %bitcast_convert_type3A_447 : vector<16xf32>
        %add3A_451 = arith.addf %add3A_411, %mul3A_450 : vector<16xf32>
        %get3A_452 = arith.index_cast %select_n3A_171 : i32 to index
        %get3A_453 = arith.index_cast %add3A_439 : i32 to index
        %get3A_454 = arith.constant 16 : index
        %get3A_455 = tpu.vector_load %arg8[%get3A_452, %get3A_453, %get3A_454] {strides = array<i32>} : memref<2x1600x32xi32, #tpu.memory_space<vmem>>, vector<1x1x16xi32>,
        %get3A_456 = vector.shape_cast %get3A_455 : vector<1x1x16xi32> to vector<16xi32>
        %shift_left3A_457 = arith.shli %get3A_456, %broadcast_in_dim3A_5 : vector<16xi32>
        %bitcast_convert_type3A_458 = tpu.bitcast %shift_left3A_457 : vector<16xi32> -> vector<16xf32>
        %bitcast_convert_type3A_459 = tpu.bitcast %get3A_456 : vector<16xi32> -> vector<16xf32>
        %mul3A_460 = arith.mulf %gather3A_433, %bitcast_convert_type3A_458 : vector<16xf32>
        %add3A_461 = arith.addf %add3A_421, %mul3A_460 : vector<16xf32>
        %mul3A_462 = arith.mulf %gather3A_433, %bitcast_convert_type3A_459 : vector<16xf32>
        %add3A_463 = arith.addf %add3A_423, %mul3A_462 : vector<16xf32>
        %lt3A_464 = arith.constant 0 : i32
        %lt3A_465 = vector.broadcast %lt3A_464 : i32 to vector<16xi32>
        %lt3A_466 = arith.cmpi slt, %broadcast_in_dim3A_31, %lt3A_465 : vector<16xi32>
        %add3A_467 = arith.constant 16 : i32
        %add3A_468 = vector.broadcast %add3A_467 : i32 to vector<16xi32>
        %add3A_469 = arith.addi %broadcast_in_dim3A_31, %add3A_468 : vector<16xi32>
        %select_n3A_470 = arith.select %lt3A_466, %add3A_469, %broadcast_in_dim3A_31 : vector<16xi1>, vector<16xi32>
        %broadcast_in_dim3A_471 = vector.shape_cast %select_n3A_470 : vector<16xi32> to vector<16x1xi32>
        %gather3A_472 = vector.shape_cast %broadcast_in_dim3A_471 : vector<16x1xi32> to vector<16xi32>
        %gather3A_473 = tpu.dynamic_gather %get3A_306[%gather3A_472] in [0] : vector<16xf32>, vector<16xi32> -> vector<16xf32>
        %add3A_474 = arith.constant 200 : i32
        %add3A_475 = arith.addi %mul3A_291, %add3A_474 : i32
        %sub3A_476 = arith.constant 16 : i32
        %sub3A_477 = arith.subi %add3A_475, %sub3A_476 : i32
        %add3A_478 = arith.constant 12 : i32
        %add3A_479 = arith.addi %sub3A_477, %add3A_478 : i32
        %get3A_480 = arith.index_cast %select_n3A_171 : i32 to index
        %get3A_481 = arith.index_cast %add3A_479 : i32 to index
        %get3A_482 = arith.constant 0 : index
        %get3A_483 = tpu.vector_load %arg8[%get3A_480, %get3A_481, %get3A_482] {strides = array<i32>} : memref<2x1600x32xi32, #tpu.memory_space<vmem>>, vector<1x1x16xi32>,
        %get3A_484 = vector.shape_cast %get3A_483 : vector<1x1x16xi32> to vector<16xi32>
        %shift_left3A_485 = arith.shli %get3A_484, %broadcast_in_dim3A_5 : vector<16xi32>
        %bitcast_convert_type3A_486 = tpu.bitcast %shift_left3A_485 : vector<16xi32> -> vector<16xf32>
        %bitcast_convert_type3A_487 = tpu.bitcast %get3A_484 : vector<16xi32> -> vector<16xf32>
        %mul3A_488 = arith.mulf %gather3A_473, %bitcast_convert_type3A_486 : vector<16xf32>
        %add3A_489 = arith.addf %add3A_449, %mul3A_488 : vector<16xf32>
        %mul3A_490 = arith.mulf %gather3A_473, %bitcast_convert_type3A_487 : vector<16xf32>
        %add3A_491 = arith.addf %add3A_451, %mul3A_490 : vector<16xf32>
        %get3A_492 = arith.index_cast %select_n3A_171 : i32 to index
        %get3A_493 = arith.index_cast %add3A_479 : i32 to index
        %get3A_494 = arith.constant 16 : index
        %get3A_495 = tpu.vector_load %arg8[%get3A_492, %get3A_493, %get3A_494] {strides = array<i32>} : memref<2x1600x32xi32, #tpu.memory_space<vmem>>, vector<1x1x16xi32>,
        %get3A_496 = vector.shape_cast %get3A_495 : vector<1x1x16xi32> to vector<16xi32>
        %shift_left3A_497 = arith.shli %get3A_496, %broadcast_in_dim3A_5 : vector<16xi32>
        %bitcast_convert_type3A_498 = tpu.bitcast %shift_left3A_497 : vector<16xi32> -> vector<16xf32>
        %bitcast_convert_type3A_499 = tpu.bitcast %get3A_496 : vector<16xi32> -> vector<16xf32>
        %mul3A_500 = arith.mulf %gather3A_473, %bitcast_convert_type3A_498 : vector<16xf32>
        %add3A_501 = arith.addf %add3A_461, %mul3A_500 : vector<16xf32>
        %mul3A_502 = arith.mulf %gather3A_473, %bitcast_convert_type3A_499 : vector<16xf32>
        %add3A_503 = arith.addf %add3A_463, %mul3A_502 : vector<16xf32>
        %lt3A_504 = arith.constant 0 : i32
        %lt3A_505 = vector.broadcast %lt3A_504 : i32 to vector<16xi32>
        %lt3A_506 = arith.cmpi slt, %broadcast_in_dim3A_33, %lt3A_505 : vector<16xi32>
        %add3A_507 = arith.constant 16 : i32
        %add3A_508 = vector.broadcast %add3A_507 : i32 to vector<16xi32>
        %add3A_509 = arith.addi %broadcast_in_dim3A_33, %add3A_508 : vector<16xi32>
        %select_n3A_510 = arith.select %lt3A_506, %add3A_509, %broadcast_in_dim3A_33 : vector<16xi1>, vector<16xi32>
        %broadcast_in_dim3A_511 = vector.shape_cast %select_n3A_510 : vector<16xi32> to vector<16x1xi32>
        %gather3A_512 = vector.shape_cast %broadcast_in_dim3A_511 : vector<16x1xi32> to vector<16xi32>
        %gather3A_513 = tpu.dynamic_gather %get3A_306[%gather3A_512] in [0] : vector<16xf32>, vector<16xi32> -> vector<16xf32>
        %add3A_514 = arith.constant 200 : i32
        %add3A_515 = arith.addi %mul3A_291, %add3A_514 : i32
        %sub3A_516 = arith.constant 16 : i32
        %sub3A_517 = arith.subi %add3A_515, %sub3A_516 : i32
        %add3A_518 = arith.constant 13 : i32
        %add3A_519 = arith.addi %sub3A_517, %add3A_518 : i32
        %get3A_520 = arith.index_cast %select_n3A_171 : i32 to index
        %get3A_521 = arith.index_cast %add3A_519 : i32 to index
        %get3A_522 = arith.constant 0 : index
        %get3A_523 = tpu.vector_load %arg8[%get3A_520, %get3A_521, %get3A_522] {strides = array<i32>} : memref<2x1600x32xi32, #tpu.memory_space<vmem>>, vector<1x1x16xi32>,
        %get3A_524 = vector.shape_cast %get3A_523 : vector<1x1x16xi32> to vector<16xi32>
        %shift_left3A_525 = arith.shli %get3A_524, %broadcast_in_dim3A_5 : vector<16xi32>
        %bitcast_convert_type3A_526 = tpu.bitcast %shift_left3A_525 : vector<16xi32> -> vector<16xf32>
        %bitcast_convert_type3A_527 = tpu.bitcast %get3A_524 : vector<16xi32> -> vector<16xf32>
        %mul3A_528 = arith.mulf %gather3A_513, %bitcast_convert_type3A_526 : vector<16xf32>
        %add3A_529 = arith.addf %add3A_489, %mul3A_528 : vector<16xf32>
        %mul3A_530 = arith.mulf %gather3A_513, %bitcast_convert_type3A_527 : vector<16xf32>
        %add3A_531 = arith.addf %add3A_491, %mul3A_530 : vector<16xf32>
        %get3A_532 = arith.index_cast %select_n3A_171 : i32 to index
        %get3A_533 = arith.index_cast %add3A_519 : i32 to index
        %get3A_534 = arith.constant 16 : index
        %get3A_535 = tpu.vector_load %arg8[%get3A_532, %get3A_533, %get3A_534] {strides = array<i32>} : memref<2x1600x32xi32, #tpu.memory_space<vmem>>, vector<1x1x16xi32>,
        %get3A_536 = vector.shape_cast %get3A_535 : vector<1x1x16xi32> to vector<16xi32>
        %shift_left3A_537 = arith.shli %get3A_536, %broadcast_in_dim3A_5 : vector<16xi32>
        %bitcast_convert_type3A_538 = tpu.bitcast %shift_left3A_537 : vector<16xi32> -> vector<16xf32>
        %bitcast_convert_type3A_539 = tpu.bitcast %get3A_536 : vector<16xi32> -> vector<16xf32>
        %mul3A_540 = arith.mulf %gather3A_513, %bitcast_convert_type3A_538 : vector<16xf32>
        %add3A_541 = arith.addf %add3A_501, %mul3A_540 : vector<16xf32>
        %mul3A_542 = arith.mulf %gather3A_513, %bitcast_convert_type3A_539 : vector<16xf32>
        %add3A_543 = arith.addf %add3A_503, %mul3A_542 : vector<16xf32>
        %lt3A_544 = arith.constant 0 : i32
        %lt3A_545 = vector.broadcast %lt3A_544 : i32 to vector<16xi32>
        %lt3A_546 = arith.cmpi slt, %broadcast_in_dim3A_35, %lt3A_545 : vector<16xi32>
        %add3A_547 = arith.constant 16 : i32
        %add3A_548 = vector.broadcast %add3A_547 : i32 to vector<16xi32>
        %add3A_549 = arith.addi %broadcast_in_dim3A_35, %add3A_548 : vector<16xi32>
        %select_n3A_550 = arith.select %lt3A_546, %add3A_549, %broadcast_in_dim3A_35 : vector<16xi1>, vector<16xi32>
        %broadcast_in_dim3A_551 = vector.shape_cast %select_n3A_550 : vector<16xi32> to vector<16x1xi32>
        %gather3A_552 = vector.shape_cast %broadcast_in_dim3A_551 : vector<16x1xi32> to vector<16xi32>
        %gather3A_553 = tpu.dynamic_gather %get3A_306[%gather3A_552] in [0] : vector<16xf32>, vector<16xi32> -> vector<16xf32>
        %add3A_554 = arith.constant 200 : i32
        %add3A_555 = arith.addi %mul3A_291, %add3A_554 : i32
        %sub3A_556 = arith.constant 16 : i32
        %sub3A_557 = arith.subi %add3A_555, %sub3A_556 : i32
        %add3A_558 = arith.constant 14 : i32
        %add3A_559 = arith.addi %sub3A_557, %add3A_558 : i32
        %get3A_560 = arith.index_cast %select_n3A_171 : i32 to index
        %get3A_561 = arith.index_cast %add3A_559 : i32 to index
        %get3A_562 = arith.constant 0 : index
        %get3A_563 = tpu.vector_load %arg8[%get3A_560, %get3A_561, %get3A_562] {strides = array<i32>} : memref<2x1600x32xi32, #tpu.memory_space<vmem>>, vector<1x1x16xi32>,
        %get3A_564 = vector.shape_cast %get3A_563 : vector<1x1x16xi32> to vector<16xi32>
        %shift_left3A_565 = arith.shli %get3A_564, %broadcast_in_dim3A_5 : vector<16xi32>
        %bitcast_convert_type3A_566 = tpu.bitcast %shift_left3A_565 : vector<16xi32> -> vector<16xf32>
        %bitcast_convert_type3A_567 = tpu.bitcast %get3A_564 : vector<16xi32> -> vector<16xf32>
        %mul3A_568 = arith.mulf %gather3A_553, %bitcast_convert_type3A_566 : vector<16xf32>
        %add3A_569 = arith.addf %add3A_529, %mul3A_568 : vector<16xf32>
        %mul3A_570 = arith.mulf %gather3A_553, %bitcast_convert_type3A_567 : vector<16xf32>
        %add3A_571 = arith.addf %add3A_531, %mul3A_570 : vector<16xf32>
        %get3A_572 = arith.index_cast %select_n3A_171 : i32 to index
        %get3A_573 = arith.index_cast %add3A_559 : i32 to index
        %get3A_574 = arith.constant 16 : index
        %get3A_575 = tpu.vector_load %arg8[%get3A_572, %get3A_573, %get3A_574] {strides = array<i32>} : memref<2x1600x32xi32, #tpu.memory_space<vmem>>, vector<1x1x16xi32>,
        %get3A_576 = vector.shape_cast %get3A_575 : vector<1x1x16xi32> to vector<16xi32>
        %shift_left3A_577 = arith.shli %get3A_576, %broadcast_in_dim3A_5 : vector<16xi32>
        %bitcast_convert_type3A_578 = tpu.bitcast %shift_left3A_577 : vector<16xi32> -> vector<16xf32>
        %bitcast_convert_type3A_579 = tpu.bitcast %get3A_576 : vector<16xi32> -> vector<16xf32>
        %mul3A_580 = arith.mulf %gather3A_553, %bitcast_convert_type3A_578 : vector<16xf32>
        %add3A_581 = arith.addf %add3A_541, %mul3A_580 : vector<16xf32>
        %mul3A_582 = arith.mulf %gather3A_553, %bitcast_convert_type3A_579 : vector<16xf32>
        %add3A_583 = arith.addf %add3A_543, %mul3A_582 : vector<16xf32>
        %lt3A_584 = arith.constant 0 : i32
        %lt3A_585 = vector.broadcast %lt3A_584 : i32 to vector<16xi32>
        %lt3A_586 = arith.cmpi slt, %broadcast_in_dim3A_37, %lt3A_585 : vector<16xi32>
        %add3A_587 = arith.constant 16 : i32
        %add3A_588 = vector.broadcast %add3A_587 : i32 to vector<16xi32>
        %add3A_589 = arith.addi %broadcast_in_dim3A_37, %add3A_588 : vector<16xi32>
        %select_n3A_590 = arith.select %lt3A_586, %add3A_589, %broadcast_in_dim3A_37 : vector<16xi1>, vector<16xi32>
        %broadcast_in_dim3A_591 = vector.shape_cast %select_n3A_590 : vector<16xi32> to vector<16x1xi32>
        %gather3A_592 = vector.shape_cast %broadcast_in_dim3A_591 : vector<16x1xi32> to vector<16xi32>
        %gather3A_593 = tpu.dynamic_gather %get3A_306[%gather3A_592] in [0] : vector<16xf32>, vector<16xi32> -> vector<16xf32>
        %add3A_594 = arith.constant 200 : i32
        %add3A_595 = arith.addi %mul3A_291, %add3A_594 : i32
        %sub3A_596 = arith.constant 16 : i32
        %sub3A_597 = arith.subi %add3A_595, %sub3A_596 : i32
        %add3A_598 = arith.constant 15 : i32
        %add3A_599 = arith.addi %sub3A_597, %add3A_598 : i32
        %get3A_600 = arith.index_cast %select_n3A_171 : i32 to index
        %get3A_601 = arith.index_cast %add3A_599 : i32 to index
        %get3A_602 = arith.constant 0 : index
        %get3A_603 = tpu.vector_load %arg8[%get3A_600, %get3A_601, %get3A_602] {strides = array<i32>} : memref<2x1600x32xi32, #tpu.memory_space<vmem>>, vector<1x1x16xi32>,
        %get3A_604 = vector.shape_cast %get3A_603 : vector<1x1x16xi32> to vector<16xi32>
        %shift_left3A_605 = arith.shli %get3A_604, %broadcast_in_dim3A_5 : vector<16xi32>
        %bitcast_convert_type3A_606 = tpu.bitcast %shift_left3A_605 : vector<16xi32> -> vector<16xf32>
        %bitcast_convert_type3A_607 = tpu.bitcast %get3A_604 : vector<16xi32> -> vector<16xf32>
        %mul3A_608 = arith.mulf %gather3A_593, %bitcast_convert_type3A_606 : vector<16xf32>
        %add3A_609 = arith.addf %add3A_569, %mul3A_608 : vector<16xf32>
        %mul3A_610 = arith.mulf %gather3A_593, %bitcast_convert_type3A_607 : vector<16xf32>
        %add3A_611 = arith.addf %add3A_571, %mul3A_610 : vector<16xf32>
        %get3A_612 = arith.index_cast %select_n3A_171 : i32 to index
        %get3A_613 = arith.index_cast %add3A_599 : i32 to index
        %get3A_614 = arith.constant 16 : index
        %get3A_615 = tpu.vector_load %arg8[%get3A_612, %get3A_613, %get3A_614] {strides = array<i32>} : memref<2x1600x32xi32, #tpu.memory_space<vmem>>, vector<1x1x16xi32>,
        %get3A_616 = vector.shape_cast %get3A_615 : vector<1x1x16xi32> to vector<16xi32>
        %shift_left3A_617 = arith.shli %get3A_616, %broadcast_in_dim3A_5 : vector<16xi32>
        %bitcast_convert_type3A_618 = tpu.bitcast %shift_left3A_617 : vector<16xi32> -> vector<16xf32>
        %bitcast_convert_type3A_619 = tpu.bitcast %get3A_616 : vector<16xi32> -> vector<16xf32>
        %mul3A_620 = arith.mulf %gather3A_593, %bitcast_convert_type3A_618 : vector<16xf32>
        %add3A_621 = arith.addf %add3A_581, %mul3A_620 : vector<16xf32>
        %mul3A_622 = arith.mulf %gather3A_593, %bitcast_convert_type3A_619 : vector<16xf32>
        %add3A_623 = arith.addf %add3A_583, %mul3A_622 : vector<16xf32>
        %mul3A_624 = arith.constant 64 : i32
        %mul3A_625 = arith.muli %scan3A_289, %mul3A_624 : i32
        %add3A_626 = arith.addi %mul3A_270, %mul3A_625 : i32
        %add3A_627 = arith.constant 0 : i32
        %add3A_628 = arith.addi %add3A_626, %add3A_627 : i32
        %swap3A = arith.index_cast %select_n3A_208 : i32 to index
        %swap3A_629 = arith.index_cast %add3A_628 : i32 to index
        %swap3A_630 = tpu.vector_load %arg9[%swap3A, %swap3A_629] {strides = array<i32>} : memref<2x2048xf32, #tpu.memory_space<vmem>>, vector<1x16xf32>,
        %swap3A_631 = vector.shape_cast %swap3A_630 : vector<1x16xf32> to vector<16xf32>
        %swap3A_632 = vector.shape_cast %add3A_609 : vector<16xf32> to vector<1x16xf32>
        tpu.vector_store %arg9[%swap3A, %swap3A_629], %swap3A_632 {strides = array<i32>} : memref<2x2048xf32, #tpu.memory_space<vmem>>, vector<1x16xf32>,
        %mul3A_633 = arith.constant 64 : i32
        %mul3A_634 = arith.muli %scan3A_289, %mul3A_633 : i32
        %add3A_635 = arith.addi %mul3A_270, %mul3A_634 : i32
        %add3A_636 = arith.constant 16 : i32
        %add3A_637 = arith.addi %add3A_635, %add3A_636 : i32
        %swap3A_638 = arith.index_cast %select_n3A_208 : i32 to index
        %swap3A_639 = arith.index_cast %add3A_637 : i32 to index
        %swap3A_640 = tpu.vector_load %arg9[%swap3A_638, %swap3A_639] {strides = array<i32>} : memref<2x2048xf32, #tpu.memory_space<vmem>>, vector<1x16xf32>,
        %swap3A_641 = vector.shape_cast %swap3A_640 : vector<1x16xf32> to vector<16xf32>
        %swap3A_642 = vector.shape_cast %add3A_611 : vector<16xf32> to vector<1x16xf32>
        tpu.vector_store %arg9[%swap3A_638, %swap3A_639], %swap3A_642 {strides = array<i32>} : memref<2x2048xf32, #tpu.memory_space<vmem>>, vector<1x16xf32>,
        %mul3A_643 = arith.constant 64 : i32
        %mul3A_644 = arith.muli %scan3A_289, %mul3A_643 : i32
        %add3A_645 = arith.addi %mul3A_270, %mul3A_644 : i32
        %add3A_646 = arith.constant 32 : i32
        %add3A_647 = arith.addi %add3A_645, %add3A_646 : i32
        %swap3A_648 = arith.index_cast %select_n3A_208 : i32 to index
        %swap3A_649 = arith.index_cast %add3A_647 : i32 to index
        %swap3A_650 = tpu.vector_load %arg9[%swap3A_648, %swap3A_649] {strides = array<i32>} : memref<2x2048xf32, #tpu.memory_space<vmem>>, vector<1x16xf32>,
        %swap3A_651 = vector.shape_cast %swap3A_650 : vector<1x16xf32> to vector<16xf32>
        %swap3A_652 = vector.shape_cast %add3A_621 : vector<16xf32> to vector<1x16xf32>
        tpu.vector_store %arg9[%swap3A_648, %swap3A_649], %swap3A_652 {strides = array<i32>} : memref<2x2048xf32, #tpu.memory_space<vmem>>, vector<1x16xf32>,
        %mul3A_653 = arith.constant 64 : i32
        %mul3A_654 = arith.muli %scan3A_289, %mul3A_653 : i32
        %add3A_655 = arith.addi %mul3A_270, %mul3A_654 : i32
        %add3A_656 = arith.constant 48 : i32
        %add3A_657 = arith.addi %add3A_655, %add3A_656 : i32
        %swap3A_658 = arith.index_cast %select_n3A_208 : i32 to index
        %swap3A_659 = arith.index_cast %add3A_657 : i32 to index
        %swap3A_660 = tpu.vector_load %arg9[%swap3A_658, %swap3A_659] {strides = array<i32>} : memref<2x2048xf32, #tpu.memory_space<vmem>>, vector<1x16xf32>,
        %swap3A_661 = vector.shape_cast %swap3A_660 : vector<1x16xf32> to vector<16xf32>
        %swap3A_662 = vector.shape_cast %add3A_623 : vector<16xf32> to vector<1x16xf32>
        tpu.vector_store %arg9[%swap3A_658, %swap3A_659], %swap3A_662 {strides = array<i32>} : memref<2x2048xf32, #tpu.memory_space<vmem>>, vector<1x16xf32>,
      }
      %scan3A_276 = arith.constant 8 : i32
      %add3A_277 = arith.constant 2 : i32
      %add3A_278 = arith.addi %scan3A_162, %add3A_277 : i32
      %lt3A_279 = arith.constant 64 : i32
      %lt3A_280 = arith.cmpi slt, %add3A_278, %lt3A_279 : i32
      %convert_element_type3A_281 = arith.extui %lt3A_280 : i1 to i32
      %cond3A_282 = arith.constant 0 : i32
      %cond3A_283 = arith.cmpi ne, %convert_element_type3A_281, %cond3A_282 : i32
      scf.if %cond3A_283 {
        %add3A_289 = arith.constant 2 : i32
        %add3A_290 = arith.addi %scan3A_162, %add3A_289 : i32
        %mul3A_291 = arith.constant 8 : i32
        %mul3A_292 = arith.muli %add3A_290, %mul3A_291 : i32
        %add3A_293 = arith.addi %mul3A_2, %mul3A_292 : i32
        %mul3A_294 = arith.constant 200 : i32
        %mul3A_295 = arith.muli %add3A_293, %mul3A_294 : i32
        %dma_start3A_296 = arith.constant 0 : i32
        %dma_start3A_297 = tpu.memref_slice %arg7[%select_n3A_171, %dma_start3A_296] : memref<2x1600xf32, #tpu.memory_space<vmem>> -> memref<1x1600xf32, #tpu.memory_space<vmem>>
        %dma_start3A_298 = tpu.memref_squeeze %dma_start3A_297 : memref<1x1600xf32, #tpu.memory_space<vmem>> -> memref<1600xf32, #tpu.memory_space<vmem>>
        %dma_start3A_299 = tpu.memref_slice %arg3[%mul3A_295] : memref<3276800xf32, #tpu.memory_space<hbm>> -> memref<1600xf32, #tpu.memory_space<hbm>>
        %dma_start3A_300 = tpu.memref_slice %arg11[%select_n3A_171] : memref<2x!tpu.dma_semaphore, #tpu.memory_space<semaphore_mem>> -> memref<1x!tpu.dma_semaphore, #tpu.memory_space<semaphore_mem>>
        %dma_start3A_301 = tpu.memref_squeeze %dma_start3A_300 : memref<1x!tpu.dma_semaphore, #tpu.memory_space<semaphore_mem>> -> memref<!tpu.dma_semaphore, #tpu.memory_space<semaphore_mem>>
        %dma_start3A_302 = arith.constant 0 : i32
        %dma_start3A_303 = tpu.memref_slice %arg7[%select_n3A_171, %dma_start3A_302] : memref<2x1600xf32, #tpu.memory_space<vmem>> -> memref<1x1600xf32, #tpu.memory_space<vmem>>
        %dma_start3A_304 = tpu.memref_squeeze %dma_start3A_303 : memref<1x1600xf32, #tpu.memory_space<vmem>> -> memref<1600xf32, #tpu.memory_space<vmem>>
        %dma_start3A_305 = tpu.memref_slice %arg3[%mul3A_295] : memref<3276800xf32, #tpu.memory_space<hbm>> -> memref<1600xf32, #tpu.memory_space<hbm>>
        tpu.enqueue_dma source(%dma_start3A_305 : memref<1600xf32, #tpu.memory_space<hbm>>) target(%dma_start3A_304 : memref<1600xf32, #tpu.memory_space<vmem>>) target_semaphore(%dma_start3A_301 : memref<!tpu.dma_semaphore, #tpu.memory_space<semaphore_mem>>)
      } else {
      }
      %eq3A_284 = arith.constant 3 : i32
      %eq3A_285 = arith.cmpi eq, %select_n3A_224, %eq3A_284 : i32
      %convert_element_type3A_286 = arith.extui %eq3A_285 : i1 to i32
      %cond3A_287 = arith.constant 0 : i32
      %cond3A_288 = arith.cmpi ne, %convert_element_type3A_286, %cond3A_287 : i32
      scf.if %cond3A_288 {
        %sub3A_289 = arith.constant 3 : i32
        %sub3A_290 = arith.subi %scan3A_162, %sub3A_289 : i32
        %mul3A_291 = arith.constant 8 : i32
        %mul3A_292 = arith.muli %sub3A_290, %mul3A_291 : i32
        %add3A_293 = arith.addi %mul3A_2, %mul3A_292 : i32
        %mul3A_294 = arith.constant 64 : i32
        %mul3A_295 = arith.muli %add3A_293, %mul3A_294 : i32
        %dma_start3A_296 = arith.constant 0 : i32
        %dma_start3A_297 = tpu.memref_slice %arg9[%select_n3A_208, %dma_start3A_296] : memref<2x2048xf32, #tpu.memory_space<vmem>> -> memref<1x2048xf32, #tpu.memory_space<vmem>>
        %dma_start3A_298 = tpu.memref_squeeze %dma_start3A_297 : memref<1x2048xf32, #tpu.memory_space<vmem>> -> memref<2048xf32, #tpu.memory_space<vmem>>
        %dma_start3A_299 = tpu.memref_slice %arg5[%mul3A_295] : memref<1048576xf32, #tpu.memory_space<hbm>> -> memref<2048xf32, #tpu.memory_space<hbm>>
        %dma_start3A_300 = tpu.memref_slice %arg13[%select_n3A_208] : memref<2x!tpu.dma_semaphore, #tpu.memory_space<semaphore_mem>> -> memref<1x!tpu.dma_semaphore, #tpu.memory_space<semaphore_mem>>
        %dma_start3A_301 = tpu.memref_squeeze %dma_start3A_300 : memref<1x!tpu.dma_semaphore, #tpu.memory_space<semaphore_mem>> -> memref<!tpu.dma_semaphore, #tpu.memory_space<semaphore_mem>>
        %dma_start3A_302 = tpu.memref_slice %arg5[%mul3A_295] : memref<1048576xf32, #tpu.memory_space<hbm>> -> memref<2048xf32, #tpu.memory_space<hbm>>
        %dma_start3A_303 = arith.constant 0 : i32
        %dma_start3A_304 = tpu.memref_slice %arg9[%select_n3A_208, %dma_start3A_303] : memref<2x2048xf32, #tpu.memory_space<vmem>> -> memref<1x2048xf32, #tpu.memory_space<vmem>>
        %dma_start3A_305 = tpu.memref_squeeze %dma_start3A_304 : memref<1x2048xf32, #tpu.memory_space<vmem>> -> memref<2048xf32, #tpu.memory_space<vmem>>
        tpu.enqueue_dma source(%dma_start3A_305 : memref<2048xf32, #tpu.memory_space<vmem>>) target(%dma_start3A_302 : memref<2048xf32, #tpu.memory_space<hbm>>) target_semaphore(%dma_start3A_301 : memref<!tpu.dma_semaphore, #tpu.memory_space<semaphore_mem>>)
      } else {
      }
    }
    %scan3A_133 = arith.constant 64 : i32
    %dma_wait3A_134 = arith.constant 0 : i32
    %dma_wait3A_135 = arith.constant 0 : i32
    %dma_wait3A_136 = arith.constant 0 : i32
    %dma_wait3A_137 = tpu.memref_slice %arg9[%dma_wait3A_134, %dma_wait3A_136] : memref<2x2048xf32, #tpu.memory_space<vmem>> -> memref<1x2048xf32, #tpu.memory_space<vmem>>
    %dma_wait3A_138 = tpu.memref_squeeze %dma_wait3A_137 : memref<1x2048xf32, #tpu.memory_space<vmem>> -> memref<2048xf32, #tpu.memory_space<vmem>>
    %dma_wait3A_139 = arith.constant 0 : i32
    %dma_wait3A_140 = tpu.memref_slice %arg5[%dma_wait3A_139] : memref<1048576xf32, #tpu.memory_space<hbm>> -> memref<2048xf32, #tpu.memory_space<hbm>>
    %dma_wait3A_141 = tpu.memref_slice %arg13[%dma_wait3A_135] : memref<2x!tpu.dma_semaphore, #tpu.memory_space<semaphore_mem>> -> memref<1x!tpu.dma_semaphore, #tpu.memory_space<semaphore_mem>>
    %dma_wait3A_142 = tpu.memref_squeeze %dma_wait3A_141 : memref<1x!tpu.dma_semaphore, #tpu.memory_space<semaphore_mem>> -> memref<!tpu.dma_semaphore, #tpu.memory_space<semaphore_mem>>
    %dma_wait3A_143 = arith.constant 0 : i32
    %dma_wait3A_144 = tpu.memref_slice %arg5[%dma_wait3A_143] : memref<1048576xf32, #tpu.memory_space<hbm>> -> memref<2048xf32, #tpu.memory_space<hbm>>
    %dma_wait3A_145 = arith.constant 0 : i32
    %dma_wait3A_146 = tpu.memref_slice %arg9[%dma_wait3A_134, %dma_wait3A_145] : memref<2x2048xf32, #tpu.memory_space<vmem>> -> memref<1x2048xf32, #tpu.memory_space<vmem>>
    %dma_wait3A_147 = tpu.memref_squeeze %dma_wait3A_146 : memref<1x2048xf32, #tpu.memory_space<vmem>> -> memref<2048xf32, #tpu.memory_space<vmem>>
    tpu.wait_dma2 semaphore(%dma_wait3A_142 : memref<!tpu.dma_semaphore, #tpu.memory_space<semaphore_mem>>) src(%dma_wait3A_147 : memref<2048xf32, #tpu.memory_space<vmem>>) dst(%dma_wait3A_144 : memref<2048xf32, #tpu.memory_space<hbm>>)
    %dma_wait3A_148 = arith.constant 1 : i32
    %dma_wait3A_149 = arith.constant 1 : i32
    %dma_wait3A_150 = arith.constant 0 : i32
    %dma_wait3A_151 = tpu.memref_slice %arg9[%dma_wait3A_148, %dma_wait3A_150] : memref<2x2048xf32, #tpu.memory_space<vmem>> -> memref<1x2048xf32, #tpu.memory_space<vmem>>
    %dma_wait3A_152 = tpu.memref_squeeze %dma_wait3A_151 : memref<1x2048xf32, #tpu.memory_space<vmem>> -> memref<2048xf32, #tpu.memory_space<vmem>>
    %dma_wait3A_153 = arith.constant 0 : i32
    %dma_wait3A_154 = tpu.memref_slice %arg5[%dma_wait3A_153] : memref<1048576xf32, #tpu.memory_space<hbm>> -> memref<2048xf32, #tpu.memory_space<hbm>>
    %dma_wait3A_155 = tpu.memref_slice %arg13[%dma_wait3A_149] : memref<2x!tpu.dma_semaphore, #tpu.memory_space<semaphore_mem>> -> memref<1x!tpu.dma_semaphore, #tpu.memory_space<semaphore_mem>>
    %dma_wait3A_156 = tpu.memref_squeeze %dma_wait3A_155 : memref<1x!tpu.dma_semaphore, #tpu.memory_space<semaphore_mem>> -> memref<!tpu.dma_semaphore, #tpu.memory_space<semaphore_mem>>
    %dma_wait3A_157 = arith.constant 0 : i32
    %dma_wait3A_158 = tpu.memref_slice %arg5[%dma_wait3A_157] : memref<1048576xf32, #tpu.memory_space<hbm>> -> memref<2048xf32, #tpu.memory_space<hbm>>
    %dma_wait3A_159 = arith.constant 0 : i32
    %dma_wait3A_160 = tpu.memref_slice %arg9[%dma_wait3A_148, %dma_wait3A_159] : memref<2x2048xf32, #tpu.memory_space<vmem>> -> memref<1x2048xf32, #tpu.memory_space<vmem>>
    %dma_wait3A_161 = tpu.memref_squeeze %dma_wait3A_160 : memref<1x2048xf32, #tpu.memory_space<vmem>> -> memref<2048xf32, #tpu.memory_space<vmem>>
    tpu.wait_dma2 semaphore(%dma_wait3A_156 : memref<!tpu.dma_semaphore, #tpu.memory_space<semaphore_mem>>) src(%dma_wait3A_161 : memref<2048xf32, #tpu.memory_space<vmem>>) dst(%dma_wait3A_158 : memref<2048xf32, #tpu.memory_space<hbm>>)
    return
  }
}

module attributes {stable_mosaic.version = 14 : i64} {
  func.func @body(%arg0: i32, %arg1: memref<512x64xf32, #tpu.memory_space<vmem>>, %arg2: memref<64x100xf32, #tpu.memory_space<vmem>>, %arg3: memref<1x100xf32, #tpu.memory_space<vmem>>, %arg4: memref<100x2xf32, #tpu.memory_space<vmem>>, %arg5: memref<1x2xf32, #tpu.memory_space<vmem>>, %arg6: memref<512x2xf32, #tpu.memory_space<vmem>>) attributes {dimension_semantics = [#tpu.dimension_semantics<arbitrary>], iteration_bounds = array<i64: 32>, scalar_prefetch = 0 : i64, scratch_operands = 0 : i64, tpu.core_type = #tpu.core_type<tc>, window_params = [{transform_indices = @transform_0, window_bounds = array<i64: 512, 64>}, {pipeline_mode = #tpu.pipeline_mode<synchronous>, transform_indices = @transform_1, window_bounds = array<i64: 64, 100>}, {pipeline_mode = #tpu.pipeline_mode<synchronous>, transform_indices = @transform_2, window_bounds = array<i64: 1, 100>}, {pipeline_mode = #tpu.pipeline_mode<synchronous>, transform_indices = @transform_3, window_bounds = array<i64: 100, 2>}, {pipeline_mode = #tpu.pipeline_mode<synchronous>, transform_indices = @transform_4, window_bounds = array<i64: 1, 2>}, {transform_indices = @transform_5, window_bounds = array<i64: 512, 2>}]} {
    %get3A = arith.constant 0 : index
    %get3A_0 = arith.constant 0 : index
    %get3A_1 = vector.load %arg1[%get3A, %get3A_0] : memref<512x64xf32, #tpu.memory_space<vmem>>, vector<512x64xf32>
    %get3A_2 = arith.constant 0 : index
    %get3A_3 = arith.constant 0 : index
    %get3A_4 = vector.load %arg2[%get3A_2, %get3A_3] : memref<64x100xf32, #tpu.memory_space<vmem>>, vector<64x100xf32>
    %dot_general3A = arith.constant dense<0.000000e+00> : vector<512x100xf32>
    %dot_general3A_5 = tpu.matmul %get3A_1, %get3A_4, %dot_general3A {dimension_numbers = #tpu.dot_dimension_numbers<[1], [0], [0], [1], [0, 0, 1, 1], [], []>, transpose_lhs_hint = false} : vector<512x64xf32>, vector<64x100xf32>, vector<512x100xf32> -> vector<512x100xf32>
    %get3A_6 = arith.constant 0 : index
    %get3A_7 = arith.constant 0 : index
    %get3A_8 = vector.load %arg3[%get3A_6, %get3A_7] : memref<1x100xf32, #tpu.memory_space<vmem>>, vector<1x100xf32>
    %add3A = vector.broadcast %get3A_8 : vector<1x100xf32> to vector<512x100xf32>
    %add3A_9 = arith.addf %dot_general3A_5, %add3A : vector<512x100xf32>
    %max3A = arith.constant 0.000000e+00 : f32
    %max3A_10 = vector.broadcast %max3A : f32 to vector<512x100xf32>
    %max3A_11 = arith.maximumf %add3A_9, %max3A_10 : vector<512x100xf32>
    %get3A_12 = arith.constant 0 : index
    %get3A_13 = arith.constant 0 : index
    %get3A_14 = vector.load %arg4[%get3A_12, %get3A_13] : memref<100x2xf32, #tpu.memory_space<vmem>>, vector<100x2xf32>
    %dot_general3A_15 = arith.constant dense<0.000000e+00> : vector<512x2xf32>
    %dot_general3A_16 = tpu.matmul %max3A_11, %get3A_14, %dot_general3A_15 {dimension_numbers = #tpu.dot_dimension_numbers<[1], [0], [0], [1], [0, 0, 1, 1], [], []>, transpose_lhs_hint = false} : vector<512x100xf32>, vector<100x2xf32>, vector<512x2xf32> -> vector<512x2xf32>
    %get3A_17 = arith.constant 0 : index
    %get3A_18 = arith.constant 0 : index
    %get3A_19 = vector.load %arg5[%get3A_17, %get3A_18] : memref<1x2xf32, #tpu.memory_space<vmem>>, vector<1x2xf32>
    %add3A_20 = vector.broadcast %get3A_19 : vector<1x2xf32> to vector<512x2xf32>
    %add3A_21 = arith.addf %dot_general3A_16, %add3A_20 : vector<512x2xf32>
    %swap3A = arith.constant 0 : index
    %swap3A_22 = arith.constant 0 : index
    %swap3A_23 = vector.load %arg6[%swap3A, %swap3A_22] : memref<512x2xf32, #tpu.memory_space<vmem>>, vector<512x2xf32>
    tpu.vector_store %arg6[%swap3A, %swap3A_22], %add3A_21 {strides = array<i32>} : memref<512x2xf32, #tpu.memory_space<vmem>>, vector<512x2xf32>,
    return
  }
  func.func @transform_0(%arg0: i32) -> (i32, i32) {
    %c0_i32 = arith.constant 0 : i32
    %c0_i32_0 = arith.constant 0 : i32
    return %arg0, %c0_i32 : i32, i32
  }
  func.func @transform_1(%arg0: i32) -> (i32, i32) {
    %c0_i32 = arith.constant 0 : i32
    %c0_i32_0 = arith.constant 0 : i32
    %c0_i32_1 = arith.constant 0 : i32
    return %c0_i32, %c0_i32_0 : i32, i32
  }
  func.func @transform_2(%arg0: i32) -> (i32, i32) {
    %c0_i32 = arith.constant 0 : i32
    %c0_i32_0 = arith.constant 0 : i32
    %c0_i32_1 = arith.constant 0 : i32
    return %c0_i32, %c0_i32_0 : i32, i32
  }
  func.func @transform_3(%arg0: i32) -> (i32, i32) {
    %c0_i32 = arith.constant 0 : i32
    %c0_i32_0 = arith.constant 0 : i32
    %c0_i32_1 = arith.constant 0 : i32
    return %c0_i32, %c0_i32_0 : i32, i32
  }
  func.func @transform_4(%arg0: i32) -> (i32, i32) {
    %c0_i32 = arith.constant 0 : i32
    %c0_i32_0 = arith.constant 0 : i32
    %c0_i32_1 = arith.constant 0 : i32
    return %c0_i32, %c0_i32_0 : i32, i32
  }
  func.func @transform_5(%arg0: i32) -> (i32, i32) {
    %c0_i32 = arith.constant 0 : i32
    %c0_i32_0 = arith.constant 0 : i32
    return %arg0, %c0_i32 : i32, i32
  }
}

</mosaic_0001>

<sc_bundles>
// kernel: kernel.4.cloned.1.call-start
scs
__scs_entry_jumppad:
0x0: {  	(pc) =	sbr.rel $0x88, $3  }
0x1: {  	(tag) =	ssettag $0x0;
	lr =	simm.s32 $0x1  }
0x2: {  	[smem:$0x3F9A] =	sst lr;
	_ =	strace $0xD0000000  }
0x3: {  	_ = 	snop  }
0x4: {  	_ = 	snop  }
0x5: {  	_ = 	snop  }
0x6: {  	_ = 	snop  }
0x7: {  	_ = 	snop  }
__scs_overlays_trampoline_lowered:
0x8: {  	[smem:$0x3FA9] =	sst s0  }
0x9: {  	[smem:$0x3FAA] =	sst s1  }
0xa: {  	[smem:$0x3FAB] =	sst s2  }
0xb: {  	[smem:$0x3FAC] =	sst s3  }
0xc: {  	[smem:$0x3FAD] =	sst s4  }
0xd: {  	[smem:$0x3FAE] =	sst s5  }
0xe: {  	[smem:$0x3FAF] =	sst s6  }
0xf: {  	[smem:$0x3FB0] =	sst s7  }
0x10: {  	[smem:$0x3FB1] =	sst s8  }
0x11: {  	[smem:$0x3FB2] =	sst s9;
	s0 =	simm.s32 @!p0 $0x0  }
0x12: {  	s1 =	sld [smem:$0x3F98];
	s0 =	simm.s32 @p0 $0x1  }
0x13: {  	[smem:$0x3FB3] =	sst s0;
	s0 =	simm.s32 @!p1 $0x0  }
0x14: {  	s2 =	sld [smem:$0x3F97];
	s0 =	simm.s32 @p1 $0x1  }
0x15: {  	[smem:$0x3FB4] =	sst s0;
	s0 =	simm.s32 @!p2 $0x0  }
0x16: {  	s3 =	sld [smem:$0x3FDB];
	s0 =	simm.s32 @p2 $0x1  }
0x17: {  	s4 =	simm.s32 $0x1BF5;
	[smem:$0x3FB6] =	sst s0  }
0x18: {  	s0 =	sld [smem:$0x3F99];
	_ =	swait.ge [sflag:s4], $0x0  }
0x19: {  	s7 =	sld [smem:$0x3F9A]  }
0x1a: {  	s8 =	sadd.s32 $0xFFFFE003, lr  }
0x1b: {  	s9 =	sadd.s32 $0xFFFFFEF7, lr;
	s5 =	simm.s32 $0xFFFFFFFF;
	p2 =	slt.u32 s8, $0xFFFFF086  }
0x1c: {  	p1 =	slt.u32 s9, $0xF7A;
	s5 =	simm.s32 @!p2 $0x0  }
0x1d: {  	s5 =	simm.s32 @p1 $0x1;
	p0 =	seq.s32 s7, s2  }
0x1e: {  	s7 =	smul.u32 @!p0 $0xF7A, s2;
	p2 =	seq.s32 @!p0 s5, $0x0  }
0x1f: {  	s9 =	smul.u32 $0xF7A, s1;
	s8 =	simm.s32 @!p0 $0x1BF5;
	p2 =	por !p2, p0  }
0x20: {  	[sflag:s8] =	ssyncset.s32 @!p0 $0xFFFFF086;
	s6 =	sadd.s32 @!p0 s3, s7;
	s7 =	simm.s32 @!p0 $0x108  }
0x21: {  	s3 =	sadd.s32 s3, s9;
	s6 =	sadd.s32 @!p0 $0x88, s6;
	s7 =	simm.s32 @p2 $0x1082  }
0x22: {  	[simem:s7], [sflag:s8] =	dma.local @!p0 [hbm:s6], $0xF7A  }
0x23: {  	s9 =	sor.u32 $0xD0000000, s2;
	s6 =	simm.s32 $0x108;
	_ =	swait.ge @!p0 [sflag:s8], $0x0  }
0x24: {  	s3 =	sadd.s32 $0x88, s3;
	s6 =	simm.s32 @!p1 $0x1082;
	[sflag:s4] =	ssyncset.s32 $0xFFFFF086  }
0x25: {  	[simem:s6], [sflag:s4] =	dma.local [hbm:s3], $0xF7A  }
0x26: {  	[smem:$0x3F9A] =	sst s1;
	(tag) =	ssettag s2;
	_ =	strace s9  }
0x27: {  	s1 =	sld [smem:$0x3FAA]  }
0x28: {  	s2 =	sld [smem:$0x3FAB]  }
0x29: {  	s4 =	sld [smem:$0x3FAD]  }
0x2a: {  	p0 =	seq.s32 s5, $0x0;
	s5 =	sld [smem:$0x3FAE]  }
0x2b: {  	s6 =	sld [smem:$0x3FAF]  }
0x2c: {  	s7 =	sld [smem:$0x3FB0]  }
0x2d: {  	s3 =	simm.s32 $0x108;
	s8 =	sld [smem:$0x3FB1]  }
0x2e: {  	s3 =	simm.s32 @!p0 $0x1082;
	s9 =	sld [smem:$0x3FB2]  }
0x2f: {  	lr =	sadd.s32 s0, s3;
	s0 =	sld [smem:$0x3FA9]  }
0x30: {  	s3 =	sld [smem:$0x3FAC]  }
0x31: {  	[smem:$0x3FB5] =	sst s10  }
0x32: {  	s10 =	sld [smem:$0x3FB3];
	_ =	sdelay $0x3  }
0x33: {  	p0 =	seq.s32 s10, $0x1;
	s10 =	sld [smem:$0x3FB5];
	_ =	sdelay $0x3  }
0x34: {  	[smem:$0x3FB5] =	sst s10  }
0x35: {  	s10 =	sld [smem:$0x3FB4];
	_ =	sdelay $0x3  }
0x36: {  	p1 =	seq.s32 s10, $0x1;
	s10 =	sld [smem:$0x3FB5];
	_ =	sdelay $0x3  }
0x37: {  	[smem:$0x3FB5] =	sst s10  }
0x38: {  	s10 =	sld [smem:$0x3FB6]  }
0x39: {  	_ = 	snop;
	(pc) =	sbr.ind lr, $3  }
0x3a: {  	_ = 	snop  }
0x3b: {  	_ = 	snop  }
0x3c: {  	p2 =	seq.s32 s10, $0x1;
	s10 =	sld [smem:$0x3FB5]  }
0x3d: {  	_ =	shalt  }
0x3e: {  	_ =	shalt  }
0x3f: {  	_ =	shalt  }
0x40: {  	_ =	shalt  }
0x41: {  	_ =	shalt  }
0x42: {  	_ =	shalt  }
0x43: {  	_ =	shalt  }
0x44: {  	_ =	shalt  }
0x45: {  	_ =	shalt  }
0x46: {  	_ =	shalt  }
0x47: {  	_ =	shalt  }
0x48: {  	_ =	shalt  }
0x49: {  	_ =	shalt  }
0x4a: {  	_ =	shalt  }
0x4b: {  	_ =	shalt  }
0x4c: {  	_ =	shalt  }
0x4d: {  	_ =	shalt  }
0x4e: {  	_ =	shalt  }
0x4f: {  	_ =	shalt  }
0x50: {  	_ =	shalt  }
0x51: {  	_ =	shalt  }
0x52: {  	_ =	shalt  }
0x53: {  	_ =	shalt  }
0x54: {  	_ =	shalt  }
0x55: {  	_ =	shalt  }
0x56: {  	_ =	shalt  }
0x57: {  	_ =	shalt  }
0x58: {  	_ =	shalt  }
0x59: {  	_ =	shalt  }
0x5a: {  	_ =	shalt  }
0x5b: {  	_ =	shalt  }
0x5c: {  	_ =	shalt  }
0x5d: {  	_ =	shalt  }
0x5e: {  	_ =	shalt  }
0x5f: {  	_ =	shalt  }
0x60: {  	_ =	shalt  }
0x61: {  	_ =	shalt  }
0x62: {  	_ =	shalt  }
0x63: {  	_ =	shalt  }
0x64: {  	_ =	shalt  }
0x65: {  	_ =	shalt  }
0x66: {  	_ =	shalt  }
0x67: {  	_ =	shalt  }
0x68: {  	_ =	shalt  }
0x69: {  	_ =	shalt  }
0x6a: {  	_ =	shalt  }
0x6b: {  	_ =	shalt  }
0x6c: {  	_ =	shalt  }
0x6d: {  	_ =	shalt  }
0x6e: {  	_ =	shalt  }
0x6f: {  	_ =	shalt  }
0x70: {  	_ =	shalt  }
0x71: {  	_ =	shalt  }
0x72: {  	_ =	shalt  }
0x73: {  	_ =	shalt  }
0x74: {  	_ =	shalt  }
0x75: {  	_ =	shalt  }
0x76: {  	_ =	shalt  }
0x77: {  	_ =	shalt  }
0x78: {  	_ =	shalt  }
0x79: {  	_ =	shalt  }
0x7a: {  	_ =	shalt  }
0x7b: {  	_ =	shalt  }
0x7c: {  	_ =	shalt  }
0x7d: {  	_ =	shalt  }
0x7e: {  	_ =	shalt  }
0x7f: {  	_ =	shalt  }
0x80: {  	_ =	shalt  }
0x81: {  	_ =	shalt  }
0x82: {  	_ =	shalt  }
0x83: {  	_ =	shalt  }
0x84: {  	_ =	shalt  }
0x85: {  	_ =	shalt  }
0x86: {  	_ =	shalt  }
0x87: {  	_ =	shalt  }
.Lfunc_end0:
.L_simem_size_0:
called_computation_lowered:
.L_overlay_start_0:
0x88: {  	s2 =	sld [smem:$0x3FD9]  }
0x89: {  	s3 =	sld [smem:$0x3FFE];
	_ =	sdelay $0x1  }
0x8a: {  	s1 =	srdreg.scid  }
0x8b: {  	s0 =	sand.u32 $0x1, s1  }
0x8c: {  	s16 =	sshll.u32 s0, $0xA;
	s2 =	sadd.s32 s3, s2  }
0x8d: {  	s2 =	sadd.s32 s2, s16  }
0x8e: {  	[smem:$0x3FC1] =	sst s2  }
0x8f: {  	_ = 	snop  }
0x90: {  	(tm) =	ssettm $0x1  }
0x91: {  	s17 =	sld [smem:$0x3FFB];
	_ =	sdelay $0x3  }
0x92: {  	_ =	strace s17  }
0x93: {  	s2 =	sld [smem:$0x3FFC];
	_ =	sdelay $0x3  }
0x94: {  	_ =	strace s2  }
0x95: {  	s2 =	sld [smem:$0x3FFD];
	_ =	sdelay $0x3  }
0x96: {  	_ =	strace s2  }
0x97: {  	_ =	strace $0x8FFFFFFF  }
0x98: {  	s18 =	sld [smem:$0x3FDB];
	_ =	sdelay $0x1  }
0x99: {  	s19 =	simm.s32 $_scs_section_size  }
0x9a: {  	s4 =	simm.s32 $_size__tile_overlayer_lowered;
	s5 =	simm.s32 $_tile_overlayer_lowered  }
0x9b: {  	s22 =	simm.s32 $0x1BFF;
	s21 =	sshll.u32 s5, $0x1;
	s2 =	sadd.s32 s19, s18  }
0x9c: {  	s6 =	simm.s32 $0x0;
	s20 =	sshll.u32 s4, $0x1;
	s4 =	sadd.s32 s21, s2  }
0x9d: {  	[timem:s6], [sflag:s22] =	dma.local [hbm:s4], s20  }
0x9e: {  	_ =	swait.ge [sflag:s22], s20  }
0x9f: {  	s3 =	ssub.s32 $0x0, s20;
	[sflag:s22] =	ssyncset.done $0x0  }
0xa0: {  	[sflag:s22] =	ssyncadd.s32 s3;
	_ =	sdelay $0x1  }
0xa1: {  	s23 =	simm.s32 $0x1B8B  }
0xa2: {  	_ =	swait.ge [sflag:s23], $0x1  }
0xa3: {  	[sflag:s23] =	ssyncset.done $0x0  }
0xa4: {  	s25 =	simm.s32 $0x1B8E;
	s24 =	sld [smem:$0x3FFE];
	[sflag:s23] =	ssyncadd.s32 $0xFFFFFFFF  }
0xa5: {  	s26 =	simm.s32 $execute0_lowered;
	[smem:$0x3FD2] =	sst s25  }
0xa6: {  	s4 =	sshll.u32 s26, $0x1;
	_ =	strace $0x80000046;
	[dreg:$0x1] =	wrdreg $0xFFFFFFFF  }
0xa7: {  	s28 =	simm.s32 $_size_execute0_lowered;
	s2 =	sadd.s32 s2, s4;
	[dreg:$0x0] =	wrdreg $0x0  }
0xa8: {  	s4 =	sshll.u32 s28, $0x1;
	[dreg:$0x2] =	wrdreg s2  }
0xa9: {  	[dreg:$0x3] =	wrdreg s4  }
0xaa: {  	[dreg:$0x4] =	wrdreg $0xC0  }
0xab: {  	_ =	task [dreg:s6], $0x5FFFF  }
0xac: {  	[dreg:$0x1] =	wrdreg $0xFFFFFFFF  }
0xad: {  	[dreg:$0x0] =	wrdreg $0x60  }
0xae: {  	[dreg:$0x2] =	wrdreg s24  }
0xaf: {  	[dreg:$0x3] =	wrdreg $0x9  }
0xb0: {  	_ =	task.clear_ibuf [dreg:s6], $0x4FFFF;
	_ =	strace $0x90000046  }
0xb1: {  	s29 =	simm.s32 $0x9;
	_ =	strace $0x80000048  }
0xb2: {  	_ =	swait.ge [sflag:s29], $0x1  }
0xb3: {  	[sflag:s29] =	ssyncadd.s32 $0xFFFFFFFF  }
0xb4: {  	_ =	strace $0x90000048  }
0xb5: {  	_ =	sfence  }
0xb6: {  	s30 =	sld [smem:$0x0];
	_ =	sdelay $0x2  }
0xb7: {  	s31 =	sshll.u32 s1, $0xD;
	s1 =	sshrl.u32 s1, $0x2  }
0xb8: {  	s3 =	sand.u32 $0x4000, s31;
	s1 =	sadd.s32 s1, s30  }
0xb9: {  	s0 =	sor.u32 s3, s0;
	s1 =	sshll.u32 s1, $0x11  }
0xba: {  	s0 =	sor.u32 s1, s0  }
0xbb: {  	s0 =	sadd.s32 $0x8F2B, s0  }
0xbc: {  	[sflag:s0] =	ssyncadd.remote.s32 $0x1  }
0xbd: {  	_ =	sfence.sel $0xFFFF  }
0xbe: {  	[dreg:$0x0] =	wrdreg $0xFFFFFFFF;
	(pc) =	sbr.abs _section_cstart, $3  }
0xbf: {  	[dreg:$0x1] =	wrdreg $0xFFFFFFFF  }
0xc0: {  	_ =	task.clear_ibuf [dreg:s6], $0x2FFFF;
	_ =	strace $0x9FFFFFFF  }
0xc1: {  	(tm) =	ssettm $0x7FFFFFFF  }
tec
execute0_lowered:
.L_overlay_start_1:
0x0: {  	(tag) =	ssettag $0x1  }
0x1: {  	s0 =	rddreg [dreg:$0x0];
	s2 =	simm.s32 $0x0  }
0x2: {  	s1 =	srdreg.scid;
	s3 =	stileid.u32;
	s15 =	simm.s32 $0x1  }
0x3: {  	s16 =	simm.s32 $0x640;
	s19 =	simm.s32 $0x7;
	s20 =	simm.s32 $0x8  }
0x4: {  	s21 =	simm.s32 $0x0;
	[smem:$0x7FF] =	sst s2;
	s1 =	sand.u32 $0x1, s1  }
0x5: {  	s4 =	sshll.u32 s3, $0x1;
	s3 =	sadd.s32 $0x65C00, s0;
	s5 =	sadd.s32 $0xC9C00, s0  }
0x6: {  	v40 =	vimm.s32 $0x0;
	s6 =	sadd.s32 $0xCEC00, s0;
	_ =	strace $0x80000047;
	s13 =	sor.u32 s1, s4  }
0x7: {  	v42 =	vimm.s32 $0x1;
	v43 =	vimm.s32 $0x2;
	v46 =	vimm.s32 $0x3;
	s4 =	sadd.s32 $0x1C00, s0;
	s1 =	ssub.s32 $0x2, s1;
	s9 =	smul.u32 $0x3200, s13  }
0x8: {  	v48 =	vimm.s32 $0x4;
	v49 =	vimm.s32 $0x5;
	v2 =	vimm.s32 $0x6;
	s29 =	sshrl.u32 s1, $0x1;
	s7 =	sshll.u32 s13, $0x9;
	s31 =	sshll.u32 s13, $0xC  }
0x9: {  	v3 =	vimm.s32 $0x7;
	v4 =	vimm.s32 $0x8;
	v7 =	vimm.s32 $0x9;
	s0 =	ssub.s32 s1, s29;
	s13 =	sadd.s32 $0x1FFFFF40, s31;
	s30 =	sor.u32 $0xC8, s9  }
0xa: {  	v10 =	vimm.s32 $0xA;
	v13 =	vimm.s32 $0xB;
	v14 =	vimm.s32 $0xC;
	s8 =	sadd.s32 s3, s9;
	s9 =	sadd.s32 s4, s9;
	s12 =	smax.u32 s0, $0x1  }
0xb: {  	v17 =	vimm.s32 $0xD;
	v18 =	vimm.s32 $0xE;
	v19 =	vimm.s32 $0xF;
	[dreg:$0x2] =	wrdreg s8;
	s10 =	sadd.s32 s3, s30;
	s11 =	sadd.s32 s4, s30  }
.LBB2_1:
0xc: {  	s0 =	rddreg [dreg:$0x2]  }
0xd: {  	[tilespmem:s2], [sflag:$0x1] =	stream.linear.gather [hbm4b:s0+s2], $0x640, $0x38;
	[tilespmem:$0x1B900] =	vst v63  }
0xe: {  	s29 =	simm.s32 $0xC80  }
0xf: {  	[tilespmem:s29], [sflag:$0x3] =	stream.linear.gather [hbm4b:s9+s2], $0x640, $0x38;
	[tilespmem:$0x1B900] =	vst v63  }
0x10: {  	_ =	swait.ge [sflag:s15], $0x640  }
0x11: {  	[sflag:s15] =	ssyncset.done $0x0  }
0x12: {  	s30 =	simm.s32 $0x1900;
	[sflag:s15] =	ssyncadd.s32 $0xFFFFF9C0  }
0x13: {  	[tilespmem:s30], [sflag:$0x5] =	stream.indirect.gather [hbm4b:s5+s16], $0x20, s2, s16, $0xb8;
	[tilespmem:$0x1B900] =	vst v63  }
0x14: {  	_ = 	snop  }
0x15: {  	[tilespmem:s16], [sflag:$0x2] =	stream.linear.gather [hbm4b:s10+s2], $0x640, $0x38;
	[tilespmem:$0x1B900] =	vst v63  }
0x16: {  	s31 =	simm.s32 $0x12C0;
	s22 =	simm.s32 $0x0  }
0x17: {  	[tilespmem:s31], [sflag:$0x4] =	stream.linear.gather [hbm4b:s11+s2], $0x640, $0x38;
	[tilespmem:$0x1B900] =	vst v63  }
.LBB2_2:
0x18: {  	p0 =	sgt.u32 s22, $0x3D  }
.Ltmp0:
0x19: {  	s0 =	sand.u32 $0x1, s22;
	(pc) =	sbr.rel @p0 .LBB2_4-.Ltmp0, $4  }
0x1a: {  	s1 =	sadd.s32 $0x5, s0  }
0x1b: {  	s14 =	smul.u32 $0x1900, s0;
	_ =	swait.ge [sflag:s1], $0xC800  }
0x1c: {  	[sflag:s1] =	ssyncset.done $0x0  }
0x1d: {  	s23 =	sadd.s32 $0x2, s22;
	[sflag:s1] =	ssyncadd.s32 $0xFFFF3800;
	s1 =	sshrl.u32 s14, $0x2  }
0x1e: {  	s14 =	sshll.u32 s23, $0x3  }
0x1f: {  	s14 =	sadd.s32 s7, s14  }
0x20: {  	s14 =	smul.u32 $0x19, s14  }
.Ltmp1:
0x21: {  	_ = 	snop;
	(pc) =	sbr.rel .LBB2_5-.Ltmp1, $4  }
0x22: {  	_ = 	snop  }
0x23: {  	s17 =	sadd.s32 $0x1, s0;
	s14 =	sadd.s32 s3, s14  }
0x24: {  	[tilespmem:s1], [sflag:s17] =	stream.linear.gather [hbm4b:s14+s2], $0x640, $0x38;
	[tilespmem:$0x1B900] =	vst v63  }
0x25: {  	s14 =	sadd.s32 $0x1, s22  }
.LBB2_4:
0x26: {  	p1 =	seq.s32 s22, $0x3F  }
.Ltmp2:
0x27: {  	_ = 	snop;
	(pc) =	sbr.rel @p1 .LBB2_6-.Ltmp2, $2  }
0x28: {  	_ =	sdelay $0x2  }
0x29: {  	s14 =	simm.s32 $0x3F;
	s24 =	simm.s32 $0x40  }
.LBB2_5:
0x2a: {  	s17 =	sxor.u32 $0x1, s0  }
0x2b: {  	s18 =	smul.u32 $0x1900, s17  }
0x2c: {  	s24 =	sadd.s32 $0x1, s17;
	s25 =	smul.u32 $0x32000, s17  }
0x2d: {  	s17 =	sadd.s32 $0x5, s17;
	_ =	swait.ge [sflag:s24], $0x640  }
0x2e: {  	s18 =	sshrl.u32 s18, $0x2;
	[sflag:s24] =	ssyncset.done $0x0;
	s25 =	sshrl.u32 s25, $0x2  }
0x2f: {  	[sflag:s24] =	ssyncadd.s32 $0xFFFFF9C0;
	s31 =	sadd.s32 $0x1900, s25;
	s24 =	smov.u32 s14  }
0x30: {  	[tilespmem:s31], [sflag:s17] =	stream.indirect.gather [hbm4b:s5+s16], $0x20, s18, s16, $0xb8;
	[tilespmem:$0x1B900] =	vst v63  }
.LBB2_6:
0x31: {  	s25 =	sand.u32 $0x3, s22  }
0x32: {  	p1 =	slt.u32 s22, $0x8;
	s28 =	sadd.s32 $0x3, s0;
	s26 =	sand.u32 $0x4, s22  }
0x33: {  	s18 =	smul.u32 $0x32000, s0;
	s1 =	sadd.s32 $0xC80, s1;
	p2 =	sne.s32 @!p1 s25, $0x0  }
0x34: {  	_ =	swait.ge [sflag:s28], $0x640;
	s17 =	sshll.u32 s26, $0x9;
	p1 =	por p2, p1  }
0x35: {  	s31 =	sshll.u32 s25, $0x9;
	[sflag:s28] =	ssyncset.done $0x0;
	s14 =	sshrl.u32 @!p1 s26, $0x2  }
0x36: {  	s0 =	sshrl.u32 s18, $0x2;
	[sflag:s28] =	ssyncadd.s32 $0xFFFFF9C0;
	s14 =	sadd.s32 @!p1 $0x7, s14  }
0x37: {  	v0 =	vmov s1;
	s29 =	sadd.s32 $0x1A900, s17;
	s18 =	sadd.s32 $0x1900, s0;
	_ =	swait.ge @!p1 [sflag:s14], $0x800  }
0x38: {  	s30 =	sadd.s32 s31, s29;
	[tilespmem:$0x1FFD0] =	vst v0;
	v0 =	vmov s18  }
0x39: {  	s17 =	sadd.s32 $0x1A00, s0;
	[sflag:s14] =	ssyncset.done @!p1 $0x0;
	[tilespmem:$0x1FFE0] =	vst v0;
	v0 =	vmov s30  }
0x3a: {  	s0 =	simm.s32 $0x0;
	[sflag:s14] =	ssyncadd.s32 @!p1 $0xFFFFF800;
	s30 =	smov.u32 s1;
	[tilespmem:$0x1FFF0] =	vst v0  }
.LBB2_7:
0x3b: {  	v0 =	vld [tilespmem:s17+$0xE0];
	v6 =	vmov s30  }
0x3c: {  	v16 =	vld [tilespmem:s17+$0xF0]  }
0x3d: {  	v1 =	vld [tilespmem:s17+$0xC0]  }
0x3e: {  	v21 =	vld [tilespmem:s17+$0xD0]  }
0x3f: {  	s14 =	simm.s32 $0x0;
	v20 =	vld [tilespmem:s17+$0xB0]  }
0x40: {  	[tilespmem:$0x1FE90] =	vst v6;
	v6 =	vld.idx.msk [tilespmem:v6+s14+$0x0 ss:$0x1], $0xffff  }
0x41: {  	v23 =	vld [tilespmem:s17+$0x90]  }
0x42: {  	v9 =	vld [tilespmem:s17+$0x60]  }
0x43: {  	v25 =	vld [tilespmem:s17+$0x70]  }
0x44: {  	v61 =	vimm.f32 $0.0e+00;
	v12 =	vld [tilespmem:s17+$0x40];
	v11 =	vshll.u32 v0, $0x10  }
0x45: {  	v5 =	vld [tilespmem:s17+$0xA0];
	v15 =	vshll.u32 v1, $0x10;
	[tilespmem:$0x1FEA0] =	vst v21;
	v22 =	vperm.xlane v6, v19;
	v26 =	vperm.xlane v6, v18  }
0x46: {  	v8 =	vld [tilespmem:s17+$0x80];
	v21 =	vshll.u32 v21, $0x10;
	[tilespmem:$0x1FEC0] =	vst v16;
	v30 =	vperm.xlane v6, v14;
	v29 =	vperm.xlane v6, v17  }
0x47: {  	v41 =	vld [tilespmem:s17+$0x30];
	v16 =	vshll.u32 v16, $0x10;
	[tilespmem:$0x1FEE0] =	vst v20;
	v39 =	vperm.xlane v6, v10;
	v36 =	vperm.xlane v6, v13  }
0x48: {  	v34 =	vld [tilespmem:s17+$0x50];
	[tilespmem:$0x1FF00] =	vst v23;
	v24 =	vshll.u32 v9, $0x10;
	v45 =	vperm.xlane v6, v4;
	v44 =	vperm.xlane v6, v7  }
0x49: {  	v31 =	vld [tilespmem:s17+$0x0];
	[tilespmem:$0x1FF20] =	vst v25;
	v27 =	vshll.u32 v12, $0x10;
	v55 =	vperm.xlane v6, v2;
	v50 =	vperm.xlane v6, v3  }
0x4a: {  	v47 =	vld [tilespmem:s17+$0x10];
	[tilespmem:$0x1FED0] =	vst v16;
	v10 =	vshll.u32 v23, $0x10;
	v62 =	vperm.xlane v6, v48;
	v59 =	vperm.xlane v6, v49  }
0x4b: {  	v19 =	vld [tilespmem:s17+$0x20];
	v2 =	vshll.u32 v25, $0x10;
	v4 =	vperm.xlane v6, v43;
	[tilespmem:$0x1FF10] =	vst v10;
	v0 =	vmul.f32 v0, v22  }
0x4c: {  	v51 =	vshll.u32 v41, $0x10;
	v3 =	vld [tilespmem:s17+$0xFFFFFFE0];
	v14 =	vperm.xlane v6, v40;
	[tilespmem:$0x1FF30] =	vst v2;
	v2 =	vperm.xlane v6, v46  }
0x4d: {  	v7 =	vshll.u32 v34, $0x10;
	v17 =	vld [tilespmem:s17+$0xFFFFFFB0];
	v10 =	vperm.xlane v6, v42;
	[tilespmem:$0x1FF60] =	vst v0;
	v0 =	vmul.f32 v15, v26  }
0x4e: {  	v16 =	vshll.u32 v5, $0x10;
	v23 =	vld [tilespmem:s17+$0xFFFFFF80];
	[tilespmem:$0x1FF40] =	vst v7;
	v6 =	vmul.f32 v11, v22;
	v52 =	vmul.f32 v24, v36  }
0x4f: {  	v18 =	vshll.u32 v20, $0x10;
	v7 =	vld [tilespmem:s17+$0xFFFFFFC0];
	[tilespmem:$0x1FF70] =	vst v0;
	v0 =	vmul.f32 v1, v26;
	v1 =	vmul.f32 v16, v29  }
0x50: {  	v54 =	vld [tilespmem:s17+$0xFFFFFFF0];
	v58 =	vshll.u32 v47, $0x10;
	[tilespmem:$0x1FEF0] =	vst v18;
	v53 =	vmul.f32 v9, v36;
	v56 =	vmul.f32 v27, v39  }
0x51: {  	v60 =	vld [tilespmem:s17+$0xFFFFFFD0];
	v18 =	vshll.u32 v8, $0x10;
	v57 =	vmul.f32 v12, v39;
	[tilespmem:$0x1FF90] =	vst v1;
	v1 =	vmul.f32 v5, v29  }
0x52: {  	v13 =	vld [tilespmem:s17+$0xFFFFFFA0];
	v9 =	vimm.f32 $0.0e+00;
	v11 =	vimm.f32 $0.0e+00;
	[tilespmem:$0x1FF50] =	vst v6;
	v32 =	vshll.u32 v19, $0x10  }
0x53: {  	v27 =	vld [tilespmem:s17+$0xFFFFFF60];
	v35 =	vshll.u32 v3, $0x10;
	v12 =	vshll.u32 v17, $0x10;
	[tilespmem:$0x1FFA0] =	vst v1;
	v1 =	vmul.f32 v18, v30  }
0x54: {  	v6 =	vld [tilespmem:s17+$0xFFFFFF90];
	v33 =	vshll.u32 v23, $0x10;
	v24 =	vshll.u32 v7, $0x10;
	v63 =	vmul.f32 v32, v44;
	[tilespmem:$0x1FF80] =	vst v0  }
0x55: {  	v15 =	vld [tilespmem:s17+$0xFFFFFF70];
	v16 =	vmul.f32 v19, v44;
	v0 =	vshll.u32 v31, $0x10;
	[tilespmem:$0x1FFB0] =	vst v1;
	v1 =	vmul.f32 v8, v30  }
0x56: {  	[tilespmem:$0x1FEB0] =	vst v21;
	v32 =	vld [tilespmem:s17+$0xFFFFFF40];
	v5 =	vshll.u32 v60, $0x10;
	v0 =	vmul.f32 v0, v45;
	v18 =	vshll.u32 v54, $0x10  }
0x57: {  	s18 =	simm.s32 $0x40;
	s31 =	smov.u32 s17;
	s14 =	smul.u32 $0xC8, s0;
	v19 =	vld [tilespmem:s17+$0xFFFFFF50];
	v8 =	vimm.f32 $0.0e+00;
	[tilespmem:$0x1FFC0] =	vst v1;
	v1 =	vmul.f32 v31, v45;
	v31 =	vshll.u32 v13, $0x10  }
.LBB2_8:
0x58: {  	v20 =	vld [tilespmem:s31+$0xFFFFFF20]  }
0x59: {  	v37 =	vld [tilespmem:s31+$0xFFFFFF00]  }
0x5a: {  	v25 =	vld [tilespmem:s31+$0xFFFFFF10]  }
0x5b: {  	v35 =	vmul.f32 v35, v50;
	v24 =	vmul.f32 v24, v55  }
0x5c: {  	v7 =	vmul.f32 v7, v55;
	v42 =	vld [tilespmem:s31+$0xFFFFFF30];
	v38 =	vshll.u32 v27, $0x10;
	v40 =	vshll.u32 v15, $0x10  }
0x5d: {  	v43 =	vshll.u32 v32, $0x10;
	v32 =	vmul.f32 v32, v4;
	v46 =	vshll.u32 v20, $0x10  }
0x5e: {  	v48 =	vshll.u32 v37, $0x10;
	v20 =	vmul.f32 v20, v10;
	v37 =	vmul.f32 v37, v14  }
0x5f: {  	v49 =	vshll.u32 v25, $0x10;
	v46 =	vmul.f32 v46, v10;
	v48 =	vmul.f32 v48, v14  }
0x60: {  	v28 =	vshll.u32 v19, $0x10;
	v49 =	vmul.f32 v49, v14;
	v14 =	vmul.f32 v25, v14  }
0x61: {  	v25 =	vshll.u32 v42, $0x10;
	v9 =	vadd.f32 v37, v9;
	v48 =	vadd.f32 v48, v61  }
0x62: {  	v25 =	vmul.f32 v25, v10;
	v10 =	vmul.f32 v42, v10;
	v8 =	vadd.f32 v14, v8  }
0x63: {  	v43 =	vmul.f32 v43, v4;
	v9 =	vadd.f32 v20, v9;
	v14 =	vadd.f32 v46, v48  }
0x64: {  	v20 =	vmul.f32 v28, v4;
	v4 =	vmul.f32 v19, v4;
	v8 =	vadd.f32 v10, v8  }
0x65: {  	v27 =	vmul.f32 v27, v2;
	v38 =	vmul.f32 v38, v2;
	v10 =	vadd.f32 v43, v14  }
0x66: {  	v14 =	vmul.f32 v40, v2;
	v4 =	vadd.f32 v4, v8;
	v2 =	vmul.f32 v15, v2  }
0x67: {  	v31 =	vmul.f32 v31, v59;
	v13 =	vmul.f32 v13, v59;
	v11 =	vadd.f32 v49, v11  }
0x68: {  	v33 =	vmul.f32 v33, v62;
	v2 =	vadd.f32 v2, v4;
	v4 =	vmul.f32 v6, v62  }
0x69: {  	v23 =	vmul.f32 v23, v62;
	v11 =	vadd.f32 v25, v11;
	v8 =	vadd.f32 v38, v10  }
0x6a: {  	v9 =	vadd.f32 v32, v9;
	v2 =	vadd.f32 v4, v2;
	v4 =	vmul.f32 v17, v59  }
0x6b: {  	v21 =	vshll.u32 v6, $0x10;
	v11 =	vadd.f32 v20, v11;
	v6 =	vadd.f32 v33, v8  }
0x6c: {  	v9 =	vadd.f32 v27, v9;
	v2 =	vadd.f32 v4, v2;
	v4 =	vmul.f32 v60, v55  }
0x6d: {  	v10 =	vmul.f32 v21, v62;
	v11 =	vadd.f32 v14, v11;
	v6 =	vadd.f32 v31, v6  }
0x6e: {  	v8 =	vadd.f32 v23, v9;
	v2 =	vadd.f32 v4, v2;
	v4 =	vmul.f32 v54, v50  }
0x6f: {  	v9 =	vmul.f32 v12, v59;
	v10 =	vadd.f32 v10, v11;
	v6 =	vadd.f32 v24, v6  }
0x70: {  	v8 =	vadd.f32 v13, v8;
	v2 =	vadd.f32 v4, v2;
	v4 =	vmul.f32 v47, v45  }
0x71: {  	v5 =	vmul.f32 v5, v55;
	v9 =	vadd.f32 v9, v10;
	v6 =	vadd.f32 v35, v6  }
0x72: {  	v7 =	vadd.f32 v7, v8;
	v2 =	vadd.f32 v4, v2;
	v4 =	vmul.f32 v41, v44  }
0x73: {  	v8 =	vmul.f32 v18, v50;
	v5 =	vadd.f32 v5, v9;
	v0 =	vadd.f32 v0, v6  }
0x74: {  	v3 =	vmul.f32 v3, v50;
	v2 =	vadd.f32 v4, v2;
	v4 =	vmul.f32 v34, v39  }
0x75: {  	v5 =	vadd.f32 v8, v5;
	v8 =	vld [tilespmem:$0x1FFB0];
	v0 =	vadd.f32 v63, v0  }
0x76: {  	v3 =	vadd.f32 v3, v7;
	v7 =	vmul.f32 v58, v45;
	v2 =	vadd.f32 v4, v2;
	v4 =	vld [tilespmem:$0x1FF20]  }
0x77: {  	v0 =	vadd.f32 v56, v0  }
0x78: {  	v1 =	vadd.f32 v1, v3;
	v3 =	vmul.f32 v51, v44;
	v5 =	vadd.f32 v7, v5;
	v6 =	vld [tilespmem:$0x1FF40]  }
0x79: {  	v0 =	vadd.f32 v52, v0  }
0x7a: {  	v1 =	vadd.f32 v16, v1;
	v3 =	vadd.f32 v3, v5;
	v5 =	vld [tilespmem:$0x1FF30]  }
0x7b: {  	v0 =	vadd.f32 v8, v0;
	v8 =	vld [tilespmem:$0x1FFC0];
	v4 =	vmul.f32 v4, v36  }
0x7c: {  	v7 =	vld [tilespmem:$0x1FF10];
	v1 =	vadd.f32 v57, v1  }
0x7d: {  	v6 =	vmul.f32 v6, v39;
	v2 =	vadd.f32 v4, v2;
	v4 =	vld [tilespmem:$0x1FF00]  }
0x7e: {  	v1 =	vadd.f32 v53, v1  }
0x7f: {  	v5 =	vmul.f32 v5, v36;
	v3 =	vadd.f32 v6, v3  }
0x80: {  	s31 =	sadd.s32 $0x200, s31;
	v1 =	vadd.f32 v8, v1;
	v8 =	vld [tilespmem:$0x1FEF0]  }
0x81: {  	v37 =	vld [tilespmem:s31+$0x0];
	v7 =	vmul.f32 v7, v30;
	v3 =	vadd.f32 v5, v3  }
0x82: {  	v19 =	vld [tilespmem:s31+$0x80];
	v4 =	vmul.f32 v4, v30  }
0x83: {  	v3 =	vadd.f32 v7, v3;
	v7 =	vld [tilespmem:$0x1FF90]  }
0x84: {  	v2 =	vadd.f32 v4, v2;
	v4 =	vld [tilespmem:$0x1FEE0]  }
0x85: {  	v15 =	vld [tilespmem:s31+$0xC0];
	v8 =	vmul.f32 v8, v29  }
0x86: {  	v20 =	vld [tilespmem:s31+$0x60]  }
0x87: {  	v3 =	vadd.f32 v8, v3;
	v8 =	vld [tilespmem:$0x1FF70]  }
0x88: {  	v21 =	vld [tilespmem:s31+$0x20]  }
0x89: {  	v0 =	vadd.f32 v7, v0;
	v7 =	vld [tilespmem:$0x1FFA0];
	v4 =	vmul.f32 v4, v29  }
0x8a: {  	v12 =	vld [tilespmem:s31+$0xE0]  }
0x8b: {  	v2 =	vadd.f32 v4, v2;
	v4 =	vld [tilespmem:$0x1FEA0]  }
0x8c: {  	v0 =	vadd.f32 v8, v0;
	v8 =	vld [tilespmem:$0x1FF80]  }
0x8d: {  	v6 =	vld [tilespmem:s31+$0xF0]  }
0x8e: {  	v1 =	vadd.f32 v7, v1;
	v7 =	vld [tilespmem:$0x1FEB0]  }
0x8f: {  	v9 =	vld [tilespmem:$0x1FE90]  }
0x90: {  	v5 =	vld [tilespmem:s31+$0xD0];
	v4 =	vmul.f32 v4, v26  }
0x91: {  	v1 =	vadd.f32 v8, v1;
	v8 =	vld [tilespmem:$0x1FED0]  }
0x92: {  	v2 =	vadd.f32 v4, v2;
	v4 =	vld [tilespmem:$0x1FEC0]  }
0x93: {  	v11 =	vmul.f32 v7, v26;
	v7 =	vmov v6;
	v6 =	vld [tilespmem:$0x1FF50]  }
0x94: {  	v13 =	vld [tilespmem:s31+$0xB0]  }
0x95: {  	v54 =	vld [tilespmem:s31+$0xFFFFFFF0]  }
0x96: {  	v42 =	vimm.s32 $0x1;
	v49 =	vimm.s32 $0x5;
	v48 =	vimm.s32 $0x4;
	v47 =	vld [tilespmem:s31+$0x10]  }
0x97: {  	s8 =	sshra.s32 s18, $0x2;
	v41 =	vld [tilespmem:s31+$0x30];
	v3 =	vadd.f32 v11, v3;
	v8 =	vmul.f32 v8, v22;
	v4 =	vmul.f32 v4, v22  }
0x98: {  	v46 =	vimm.s32 $0x3;
	v43 =	vimm.s32 $0x2;
	v10 =	vld.idx.msk [tilespmem:v9+s8+$0x0 ss:$0x1], $0xffff;
	v61 =	vadd.f32 v6, v0;
	v6 =	vmovc v5  }
0x99: {  	v0 =	vld [tilespmem:$0x1FF60];
	v11 =	vadd.f32 v8, v3;
	v8 =	vadd.f32 v4, v2;
	v2 =	vshll.u32 v6, $0x10  }
0x9a: {  	v40 =	vimm.s32 $0x0;
	v14 =	vld [tilespmem:s31+$0x90];
	v25 =	vshll.u32 v19, $0x10;
	[tilespmem:$0x1FEB0] =	vst v2;
	v2 =	vshll.u32 v7, $0x10  }
0x9b: {  	v38 =	vshll.u32 v37, $0x10;
	v28 =	vshll.u32 v20, $0x10;
	v16 =	vld [tilespmem:s31+$0xA0];
	[tilespmem:$0x1FED0] =	vst v2;
	v2 =	vshll.u32 v13, $0x10  }
0x9c: {  	v33 =	vshll.u32 v21, $0x10;
	v18 =	vshll.u32 v54, $0x10;
	[tilespmem:$0x1FEF0] =	vst v2;
	v2 =	vimm.s32 $0xF  }
0x9d: {  	v58 =	vshll.u32 v47, $0x10;
	v51 =	vshll.u32 v41, $0x10;
	v22 =	vperm.xlane v10, v2  }
0x9e: {  	v17 =	vld [tilespmem:s31+$0x70];
	v62 =	vperm.xlane v10, v48;
	[tilespmem:$0x1FEA0] =	vst v6;
	v9 =	vadd.f32 v0, v1;
	v0 =	vshll.u32 v12, $0x10  }
0x9f: {  	v59 =	vperm.xlane v10, v49;
	[tilespmem:$0x1FEC0] =	vst v7;
	v1 =	vld [tilespmem:s31+$0x40];
	v2 =	vshll.u32 v14, $0x10;
	v0 =	vmul.f32 v0, v22  }
0xa0: {  	v5 =	vshll.u32 v15, $0x10;
	v3 =	vld [tilespmem:s31+$0xFFFFFFE0];
	v6 =	vshll.u32 v16, $0x10;
	[tilespmem:$0x1FF10] =	vst v2;
	v2 =	vimm.s32 $0xE  }
0xa1: {  	v7 =	vld [tilespmem:s31+$0xFFFFFFC0];
	v26 =	vperm.xlane v10, v2;
	v2 =	vimm.s32 $0xC;
	[tilespmem:$0x1FF50] =	vst v0;
	v0 =	vmul.f32 v12, v22  }
0xa2: {  	[tilespmem:$0x1FEE0] =	vst v13;
	v4 =	vperm.xlane v10, v43;
	v30 =	vperm.xlane v10, v2;
	v2 =	vimm.s32 $0xD  }
0xa3: {  	v13 =	vld [tilespmem:s31+$0xFFFFFFA0];
	v29 =	vperm.xlane v10, v2;
	v2 =	vimm.s32 $0xA;
	[tilespmem:$0x1FF60] =	vst v0;
	v0 =	vmul.f32 v5, v26  }
0xa4: {  	[tilespmem:$0x1FF00] =	vst v14;
	v32 =	vshll.u32 v1, $0x10;
	v39 =	vperm.xlane v10, v2;
	v2 =	vimm.s32 $0xB  }
0xa5: {  	v36 =	vperm.xlane v10, v2;
	v2 =	vshll.u32 v17, $0x10;
	[tilespmem:$0x1FF70] =	vst v0;
	v0 =	vmul.f32 v15, v26  }
0xa6: {  	v35 =	vshll.u32 v3, $0x10;
	v14 =	vperm.xlane v10, v40;
	v24 =	vshll.u32 v7, $0x10;
	[tilespmem:$0x1FF30] =	vst v2  }
0xa7: {  	v60 =	vld [tilespmem:s31+$0xFFFFFFD0];
	v2 =	vimm.s32 $0x8;
	v56 =	vmul.f32 v32, v39;
	[tilespmem:$0x1FF80] =	vst v0;
	v0 =	vmul.f32 v6, v29  }
0xa8: {  	v34 =	vld [tilespmem:s31+$0x50];
	[tilespmem:$0x1FF20] =	vst v17;
	v31 =	vshll.u32 v13, $0x10;
	v57 =	vmul.f32 v1, v39;
	v45 =	vperm.xlane v10, v2  }
0xa9: {  	v17 =	vld [tilespmem:s31+$0xFFFFFFB0];
	v2 =	vimm.s32 $0x9;
	v52 =	vmul.f32 v28, v36;
	[tilespmem:$0x1FF90] =	vst v0;
	v0 =	vmul.f32 v16, v29  }
0xaa: {  	p1 =	sne.s32 s18, $0x2C0;
	v23 =	vld [tilespmem:s31+$0xFFFFFF80];
	v53 =	vmul.f32 v20, v36;
	v44 =	vperm.xlane v10, v2;
	v2 =	vimm.s32 $0x6  }
.Ltmp3:
0xab: {  	v27 =	vld [tilespmem:s31+$0xFFFFFF60];
	v55 =	vperm.xlane v10, v2;
	v2 =	vimm.s32 $0x7;
	[tilespmem:$0x1FFA0] =	vst v0;
	v0 =	vmul.f32 v25, v30;
	(pc) =	sbr.rel @p1 .LBB2_8-.Ltmp3, $4  }
0xac: {  	v5 =	vshll.u32 v60, $0x10;
	v32 =	vld [tilespmem:s31+$0xFFFFFF40];
	v1 =	vmul.f32 v37, v45;
	v50 =	vperm.xlane v10, v2  }
0xad: {  	v15 =	vld [tilespmem:s31+$0xFFFFFF70];
	v2 =	vshll.u32 v34, $0x10;
	v63 =	vmul.f32 v33, v44;
	[tilespmem:$0x1FFB0] =	vst v0;
	v0 =	vmul.f32 v19, v30  }
0xae: {  	v6 =	vld [tilespmem:s31+$0xFFFFFF90];
	v12 =	vshll.u32 v17, $0x10;
	[tilespmem:$0x1FF40] =	vst v2;
	v2 =	vperm.xlane v10, v46;
	v10 =	vperm.xlane v10, v42  }
0xaf: {  	s18 =	sadd.s32 $0x40, s18;
	v33 =	vshll.u32 v23, $0x10;
	v16 =	vmul.f32 v21, v44;
	v19 =	vld [tilespmem:s31+$0xFFFFFF50];
	[tilespmem:$0x1FFC0] =	vst v0;
	v0 =	vmul.f32 v38, v45  }
0xb0: {  	v20 =	vld [tilespmem:s31+$0xFFFFFF00]  }
0xb1: {  	v21 =	vld [tilespmem:s31+$0xFFFFFF10];
	_ =	sdelay $0x1  }
0xb2: {  	v25 =	vld [tilespmem:s31+$0xFFFFFF20]  }
0xb3: {  	v28 =	vld [tilespmem:s31+$0xFFFFFF30]  }
0xb4: {  	v37 =	vshll.u32 v20, $0x10  }
0xb5: {  	v38 =	vshll.u32 v21, $0x10;
	v20 =	vmul.f32 v20, v14;
	v37 =	vmul.f32 v37, v14  }
0xb6: {  	v38 =	vmul.f32 v38, v14;
	v14 =	vmul.f32 v21, v14  }
0xb7: {  	v9 =	vadd.f32 v20, v9;
	v20 =	vshll.u32 v25, $0x10;
	v25 =	vmul.f32 v25, v10  }
0xb8: {  	v21 =	vadd.f32 v37, v61;
	v11 =	vadd.f32 v38, v11;
	v61 =	vshll.u32 v28, $0x10  }
0xb9: {  	v20 =	vmul.f32 v20, v10;
	v8 =	vadd.f32 v14, v8;
	v14 =	vmul.f32 v61, v10  }
0xba: {  	v38 =	vshll.u32 v32, $0x10;
	v10 =	vmul.f32 v28, v10;
	v9 =	vadd.f32 v25, v9  }
0xbb: {  	v61 =	vshll.u32 v19, $0x10;
	v20 =	vadd.f32 v20, v21;
	v11 =	vadd.f32 v14, v11  }
0xbc: {  	v14 =	vmul.f32 v38, v4;
	v8 =	vadd.f32 v10, v8;
	v10 =	vmul.f32 v32, v4  }
0xbd: {  	v21 =	vmul.f32 v61, v4;
	v4 =	vmul.f32 v19, v4;
	v19 =	vshll.u32 v27, $0x10  }
0xbe: {  	v14 =	vadd.f32 v14, v20;
	v9 =	vadd.f32 v10, v9;
	v10 =	vmul.f32 v19, v2  }
0xbf: {  	v19 =	vshll.u32 v15, $0x10;
	v11 =	vadd.f32 v21, v11;
	v20 =	vmul.f32 v27, v2  }
0xc0: {  	v4 =	vadd.f32 v4, v8;
	v19 =	vmul.f32 v19, v2;
	v2 =	vmul.f32 v15, v2  }
0xc1: {  	v8 =	vadd.f32 v10, v14;
	v9 =	vadd.f32 v20, v9  }
0xc2: {  	v14 =	vmul.f32 v23, v62;
	v2 =	vadd.f32 v2, v4;
	v4 =	vshll.u32 v6, $0x10  }
0xc3: {  	v10 =	vadd.f32 v19, v11;
	v6 =	vmul.f32 v6, v62;
	v4 =	vmul.f32 v4, v62  }
0xc4: {  	v13 =	vmul.f32 v13, v59;
	v9 =	vadd.f32 v14, v9  }
0xc5: {  	v2 =	vadd.f32 v6, v2;
	v6 =	vmul.f32 v12, v59;
	v4 =	vadd.f32 v4, v10  }
0xc6: {  	v7 =	vmul.f32 v7, v55;
	v10 =	vmul.f32 v17, v59  }
0xc7: {  	v5 =	vmul.f32 v5, v55;
	v9 =	vadd.f32 v13, v9;
	v4 =	vadd.f32 v6, v4  }
0xc8: {  	v3 =	vmul.f32 v3, v50;
	v2 =	vadd.f32 v10, v2;
	v10 =	vmul.f32 v60, v55  }
0xc9: {  	v7 =	vadd.f32 v7, v9;
	v4 =	vadd.f32 v5, v4;
	v5 =	vmul.f32 v18, v50  }
0xca: {  	v9 =	vmul.f32 v54, v50;
	v2 =	vadd.f32 v10, v2  }
0xcb: {  	v3 =	vadd.f32 v3, v7;
	v4 =	vadd.f32 v5, v4;
	v5 =	vmul.f32 v58, v45  }
0xcc: {  	v7 =	vmul.f32 v47, v45;
	v2 =	vadd.f32 v9, v2  }
0xcd: {  	v1 =	vadd.f32 v1, v3;
	v3 =	vadd.f32 v5, v4  }
0xce: {  	v4 =	vmul.f32 v51, v44;
	v2 =	vadd.f32 v7, v2;
	v5 =	vmul.f32 v41, v44  }
0xcf: {  	v11 =	vmul.f32 v33, v62  }
0xd0: {  	v3 =	vadd.f32 v4, v3;
	v4 =	vld [tilespmem:$0x1FF40];
	v2 =	vadd.f32 v5, v2;
	v5 =	vmul.f32 v34, v39;
	_ =	sdelay $0x1  }
0xd1: {  	v8 =	vadd.f32 v11, v8;
	v11 =	vmul.f32 v31, v59;
	v2 =	vadd.f32 v5, v2;
	v5 =	vld [tilespmem:$0x1FF20];
	_ =	sdelay $0x1  }
0xd2: {  	v8 =	vadd.f32 v11, v8;
	v6 =	vmul.f32 v24, v55  }
0xd3: {  	v4 =	vmul.f32 v4, v39  }
0xd4: {  	v6 =	vadd.f32 v6, v8;
	v8 =	vmul.f32 v35, v50  }
0xd5: {  	v3 =	vadd.f32 v4, v3;
	v4 =	vld [tilespmem:$0x1FF30];
	v5 =	vmul.f32 v5, v36  }
0xd6: {  	v6 =	vadd.f32 v8, v6  }
0xd7: {  	v2 =	vadd.f32 v5, v2;
	v5 =	vld [tilespmem:$0x1FF00]  }
0xd8: {  	v0 =	vadd.f32 v0, v6;
	_ =	sdelay $0x1  }
0xd9: {  	v0 =	vadd.f32 v63, v0;
	v4 =	vmul.f32 v4, v36  }
0xda: {  	v6 =	vld [tilespmem:$0x1FFB0]  }
0xdb: {  	v0 =	vadd.f32 v56, v0;
	v3 =	vadd.f32 v4, v3;
	v4 =	vld [tilespmem:$0x1FF10];
	v5 =	vmul.f32 v5, v30  }
0xdc: {  	v7 =	vld [tilespmem:$0x1FF90]  }
0xdd: {  	v0 =	vadd.f32 v52, v0;
	v2 =	vadd.f32 v5, v2;
	v5 =	vld [tilespmem:$0x1FEE0]  }
0xde: {  	v9 =	vld [tilespmem:$0x1FF70]  }
0xdf: {  	v15 =	vld [tilespmem:$0x1FFE0];
	v1 =	vadd.f32 v16, v1;
	v0 =	vadd.f32 v6, v0  }
0xe0: {  	v6 =	vld [tilespmem:$0x1FFC0];
	v4 =	vmul.f32 v4, v30  }
0xe1: {  	v8 =	vld [tilespmem:$0x1FFA0];
	v1 =	vadd.f32 v57, v1;
	v0 =	vadd.f32 v7, v0  }
0xe2: {  	v3 =	vadd.f32 v4, v3;
	v4 =	vld [tilespmem:$0x1FFD0];
	v5 =	vmul.f32 v5, v29  }
0xe3: {  	v1 =	vadd.f32 v53, v1;
	v0 =	vadd.f32 v9, v0;
	v9 =	vld [tilespmem:$0x1FF80]  }
0xe4: {  	v2 =	vadd.f32 v5, v2;
	v5 =	vld [tilespmem:$0x1FEA0]  }
0xe5: {  	s8 =	smul.u32 $0x6400, s0;
	v1 =	vadd.f32 v6, v1;
	v6 =	vld [tilespmem:$0x1FEF0]  }
0xe6: {  	v11 =	vld [tilespmem:$0x1FF50]  }
0xe7: {  	s18 =	sshra.s32 s8, $0x2;
	v1 =	vadd.f32 v8, v1;
	v8 =	vld [tilespmem:$0x1FEB0]  }
0xe8: {  	v7 =	vld.idx.msk [tilespmem:v15+s18+$0x1800 ss:$0x1], $0xffff  }
0xe9: {  	v1 =	vadd.f32 v9, v1;
	v9 =	vld [tilespmem:$0x1FED0];
	v5 =	vmul.f32 v5, v26  }
0xea: {  	v6 =	vmul.f32 v6, v29;
	v4 =	vld.idx.msk [tilespmem:v4+s14+$0xB8 ss:$0x1], $0xffff  }
0xeb: {  	v2 =	vadd.f32 v5, v2;
	v5 =	vld [tilespmem:$0x1FEC0]  }
0xec: {  	v0 =	vadd.f32 v11, v0;
	v11 =	vld [tilespmem:$0x1FF60];
	v8 =	vmul.f32 v8, v26;
	v3 =	vadd.f32 v6, v3  }
0xed: {  	v6 =	vld.idx.msk [tilespmem:v15+s18+$0x1810 ss:$0x1], $0xffff  }
0xee: {  	v3 =	vadd.f32 v8, v3;
	v8 =	vimm.s32 $0x8  }
0xef: {  	v8 =	vperm.xlane v4, v8  }
0xf0: {  	v10 =	vld.idx.msk [tilespmem:v15+s18+$0x1820 ss:$0x1], $0xffff;
	v9 =	vmul.f32 v9, v22;
	v5 =	vmul.f32 v5, v22  }
0xf1: {  	v12 =	vld.idx.msk [tilespmem:v15+s18+$0x1830 ss:$0x1], $0xffff;
	v1 =	vadd.f32 v11, v1;
	v11 =	vshll.u32 v7, $0x10;
	v7 =	vmul.f32 v7, v8  }
0xf2: {  	v3 =	vadd.f32 v9, v3;
	v13 =	vshll.u32 v6, $0x10;
	v2 =	vadd.f32 v5, v2  }
0xf3: {  	v5 =	vmul.f32 v13, v8;
	v1 =	vadd.f32 v7, v1;
	v7 =	vimm.s32 $0x9  }
0xf4: {  	v11 =	vmul.f32 v11, v8;
	v7 =	vperm.xlane v4, v7  }
0xf5: {  	v9 =	vld.idx.msk [tilespmem:v15+s18+$0x1840 ss:$0x1], $0xffff;
	v3 =	vadd.f32 v5, v3;
	v5 =	vmul.f32 v6, v8;
	v6 =	vshll.u32 v10, $0x10  }
0xf6: {  	v0 =	vadd.f32 v11, v0;
	v11 =	vshll.u32 v12, $0x10;
	v8 =	vld.idx.msk [tilespmem:v15+s18+$0x1850 ss:$0x1], $0xffff;
	v6 =	vmul.f32 v6, v7  }
0xf7: {  	v13 =	vld.idx.msk [tilespmem:v15+s18+$0x1860 ss:$0x1], $0xffff;
	v10 =	vmul.f32 v10, v7;
	v2 =	vadd.f32 v5, v2;
	v5 =	vmul.f32 v11, v7  }
0xf8: {  	v7 =	vmul.f32 v12, v7;
	v0 =	vadd.f32 v6, v0;
	v6 =	vimm.s32 $0xA  }
0xf9: {  	v1 =	vadd.f32 v10, v1;
	v3 =	vadd.f32 v5, v3;
	v6 =	vperm.xlane v4, v6  }
0xfa: {  	v11 =	vld.idx.msk [tilespmem:v15+s18+$0x1870 ss:$0x1], $0xffff;
	v2 =	vadd.f32 v7, v2;
	v5 =	vshll.u32 v9, $0x10;
	v10 =	vimm.s32 $0xB  }
0xfb: {  	v7 =	vshll.u32 v8, $0x10;
	v10 =	vperm.xlane v4, v10;
	v5 =	vmul.f32 v5, v6  }
0xfc: {  	v14 =	vld.idx.msk [tilespmem:v15+s18+$0x1880 ss:$0x1], $0xffff;
	v12 =	vshll.u32 v13, $0x10;
	v9 =	vmul.f32 v9, v6;
	v7 =	vmul.f32 v7, v6  }
0xfd: {  	v0 =	vadd.f32 v5, v0;
	v5 =	vmul.f32 v8, v6;
	v6 =	vmul.f32 v12, v10  }
0xfe: {  	v8 =	vld.idx.msk [tilespmem:v15+s18+$0x1890 ss:$0x1], $0xffff;
	v1 =	vadd.f32 v9, v1;
	v3 =	vadd.f32 v7, v3;
	v7 =	vmul.f32 v13, v10  }
0xff: {  	v9 =	vmul.f32 v11, v10;
	v0 =	vadd.f32 v6, v0;
	v6 =	vimm.s32 $0xC  }
0x100: {  	v2 =	vadd.f32 v5, v2;
	v5 =	vshll.u32 v11, $0x10;
	v6 =	vperm.xlane v4, v6  }
0x101: {  	v1 =	vadd.f32 v7, v1;
	v7 =	vld.idx.msk [tilespmem:v15+s18+$0x18A0 ss:$0x1], $0xffff;
	v5 =	vmul.f32 v5, v10;
	v10 =	vshll.u32 v14, $0x10  }
0x102: {  	v11 =	vld.idx.msk [tilespmem:v15+s18+$0x18B0 ss:$0x1], $0xffff;
	v10 =	vmul.f32 v10, v6  }
0x103: {  	v13 =	vshll.u32 v8, $0x10;
	v3 =	vadd.f32 v5, v3  }
0x104: {  	v5 =	vmul.f32 v13, v6;
	v0 =	vadd.f32 v10, v0;
	v10 =	vimm.s32 $0xD  }
0x105: {  	v2 =	vadd.f32 v9, v2;
	v9 =	vld.idx.msk [tilespmem:v15+s18+$0x18C0 ss:$0x1], $0xffff;
	v12 =	vmul.f32 v14, v6;
	v10 =	vperm.xlane v4, v10  }
0x106: {  	v3 =	vadd.f32 v5, v3;
	v5 =	vmul.f32 v8, v6;
	v6 =	vshll.u32 v7, $0x10  }
0x107: {  	v1 =	vadd.f32 v12, v1;
	v12 =	vshll.u32 v11, $0x10;
	v6 =	vmul.f32 v6, v10  }
0x108: {  	v8 =	vld.idx.msk [tilespmem:v15+s18+$0x18D0 ss:$0x1], $0xffff;
	v2 =	vadd.f32 v5, v2;
	v5 =	vmul.f32 v12, v10;
	v12 =	vimm.s32 $0xE  }
0x109: {  	v7 =	vmul.f32 v7, v10;
	v12 =	vperm.xlane v4, v12  }
0x10a: {  	v0 =	vadd.f32 v6, v0;
	v6 =	vmul.f32 v11, v10;
	v10 =	vshll.u32 v9, $0x10;
	v11 =	vld.idx.msk [tilespmem:v15+s18+$0x18F0 ss:$0x1], $0xffff  }
0x10b: {  	v3 =	vadd.f32 v5, v3;
	v5 =	vmul.f32 v10, v12  }
0x10c: {  	v1 =	vadd.f32 v7, v1  }
0x10d: {  	v7 =	vimm.s32 $0xF;
	v0 =	vadd.f32 v5, v0;
	v5 =	vshll.u32 v8, $0x10  }
0x10e: {  	v4 =	vperm.xlane v4, v7;
	v5 =	vmul.f32 v5, v12  }
0x10f: {  	v2 =	vadd.f32 v6, v2;
	v6 =	vmul.f32 v9, v12;
	v9 =	vshll.u32 v11, $0x10  }
0x110: {  	v13 =	vld.idx.msk [tilespmem:v15+s18+$0x18E0 ss:$0x1], $0xffff;
	v3 =	vadd.f32 v5, v3;
	v5 =	vmul.f32 v9, v4;
	_ =	sdelay $0x1  }
0x111: {  	v3 =	vadd.f32 v5, v3;
	v5 =	vld [tilespmem:$0x1FFF0];
	_ =	sdelay $0x2  }
0x112: {  	v7 =	vshll.u32 v13, $0x10  }
0x113: {  	v1 =	vadd.f32 v6, v1;
	v6 =	vmul.f32 v7, v4  }
0x114: {  	s31 =	sshll.u32 s0, $0x6;
	s0 =	sadd.s32 $0x1, s0;
	v7 =	vmul.f32 v8, v12;
	v8 =	vmul.f32 v13, v4  }
0x115: {  	p1 =	sne.s32 s0, $0x8;
	v0 =	vadd.f32 v6, v0  }
.Ltmp4:
0x116: {  	s8 =	sand.u32 $0x3FFFFFC0, s31;
	v2 =	vadd.f32 v7, v2;
	v1 =	vadd.f32 v8, v1;
	v4 =	vmul.f32 v11, v4;
	(pc) =	sbr.rel @p1 .LBB2_7-.Ltmp4, $4  }
0x117: {  	v19 =	vimm.s32 $0xF;
	v17 =	vimm.s32 $0xD;
	[tilespmem:v5+s8+$0x0 ss:$0x1] =	vst.idx.msk $0xffff, v0  }
0x118: {  	v18 =	vimm.s32 $0xE;
	v14 =	vimm.s32 $0xC;
	v0 =	vadd.f32 v4, v2;
	[tilespmem:v5+s8+$0x10 ss:$0x1] =	vst.idx.msk $0xffff, v1  }
0x119: {  	v10 =	vimm.s32 $0xA;
	v13 =	vimm.s32 $0xB;
	v7 =	vimm.s32 $0x9;
	[tilespmem:v5+s8+$0x20 ss:$0x1] =	vst.idx.msk $0xffff, v3  }
0x11a: {  	s30 =	sadd.s32 $0xC8, s30;
	s17 =	sadd.s32 $0x1900, s17;
	v2 =	vimm.s32 $0x6;
	v4 =	vimm.s32 $0x8;
	v3 =	vimm.s32 $0x7;
	[tilespmem:v5+s8+$0x30 ss:$0x1] =	vst.idx.msk $0xffff, v0  }
0x11b: {  	s0 =	sshll.u32 @!p0 s23, $0x3  }
0x11c: {  	s0 =	sadd.s32 @!p0 s7, s0  }
0x11d: {  	s0 =	smul.u32 @!p0 $0x19, s0;
	_ =	sdelay $0x1  }
0x11e: {  	s8 =	simm.s32 @!p0 $0x0;
	s0 =	sadd.s32 @!p0 s4, s0  }
0x11f: {  	[tilespmem:s1], [sflag:s28] =	stream.linear.gather @!p0 [hbm4b:s0+s8], $0x640, $0x38;
	[tilespmem:$0x1B900] =	vst v63  }
0x120: {  	p0 =	sne.s32 s25, $0x3  }
0x121: {  	s0 =	sshll.u32 @!p0 s22, $0x6  }
0x122: {  	s0 =	sadd.s32 @!p0 s13, s0  }
0x123: {  	s1 =	sshrl.u32 @!p0 s26, $0x2;
	s0 =	sand.u32 @!p0 $0x1FFFFF00, s0  }
0x124: {  	s8 =	simm.s32 @!p0 $0x0;
	s1 =	sadd.s32 @!p0 $0x7, s1;
	s0 =	sadd.s32 @!p0 s6, s0  }
0x125: {  	[hbm4b:s0+s8] =	stream.linear.scatter @!p0 [tilespmem:s29], [sflag:s1], $0x800, $0x38;
	[tilespmem:$0x1B900] =	vst v63  }
0x126: {  	p0 =	slt.u32 s24, $0x40  }
.Ltmp5:
0x127: {  	_ = 	snop;
	(pc) =	sbr.rel @p0 .LBB2_2-.Ltmp5, $2  }
0x128: {  	_ =	sdelay $0x2  }
0x129: {  	s22 =	smov.u32 s24  }
0x12a: {  	s21 =	sadd.s32 $0x1, s21  }
0x12b: {  	_ =	swait.ge [sflag:s19], $0x800;
	p0 =	sne.s32 s21, s12  }
.Ltmp6:
0x12c: {  	[sflag:s19] =	ssyncset.done $0x0;
	(pc) =	sbr.rel @p0 .LBB2_1-.Ltmp6, $4  }
0x12d: {  	[sflag:s19] =	ssyncadd.s32 $0xFFFFF800  }
0x12e: {  	_ =	swait.ge [sflag:s20], $0x800  }
0x12f: {  	[sflag:s20] =	ssyncset.done $0x0  }
0x130: {  	[sflag:s20] =	ssyncadd.s32 $0xFFFFF800  }
0x131: {  	_ =	sfence.sel $0x180000  }
0x132: {  	[bflag:$0x0] =	sbarrier.arrive $0xFFFF  }
0x133: {  	_ =	strace $0x90000047  }
0x134: {  	s0 =	stileid.u32;
	[bflag:$0x2] =	sbarrier.arrive $0xFFFF  }
0x135: {  	p0 =	sne.s32 s0, $0x0;
	s0 =	rddreg [dreg:$0x1]  }
0x136: {  	s0 =	sadd.s32 @!p0 $0x100000, s0  }
0x137: {  	[sflag:s0] =	ssyncadd.tile.s32 @!p0 $0x1;
	_ =	shalt  }
.Lfunc_end2:
_tile_overlayer_lowered:
.L_overlay_start_2:
0x138: {  	(tag) =	ssettag $0x2  }
0x139: {  	s0 =	rddreg [dreg:$0x0];
	s2 =	stileid.u32  }
0x13a: {  	s1 =	rddreg [dreg:$0x1];
	p0 =	sne.s32 s2, $0x0  }
0x13b: {  	s3 =	rddreg [dreg:$0x2];
	[bflag:$0x3] =	sbarrier.arrive $0xFFFF;
	s2 =	simm.s32 @!p0 $0x1C09  }
0x13c: {  	[timem:s3], [sflag:s2] =	dma.local @!p0 [hbm:s0], s1  }
0x13d: {  	s0 =	simm.s32 @!p0 $0x9  }
0x13e: {  	_ =	swait.ge @!p0 [sflag:s0], s1  }
0x13f: {  	s1 =	ssub.s32 @!p0 $0x0, s1;
	[sflag:s0] =	ssyncset.done @!p0 $0x0  }
0x140: {  	[sflag:s0] =	ssyncadd.s32 @!p0 s1  }
0x141: {  	[bflag:$0x3] =	sbarrier.arrive $0xFFFF  }
0x142: {  	_ =	shalt  }

</sc_bundles>
